<compile_context>
chip_gen: v7x
topology: tpu7x:2x2x1
jax: 0.10.2.dev20260603
libtpu: 0.0.44.dev20260713+nightly
codegen_flags: <defaults>
</compile_context>

<pallas_src>
import functools

import jax
import jax.numpy as jnp
from jax import lax
from jax.experimental import pallas as pl
from jax.experimental.pallas import tpu as pltpu
from jax.experimental.pallas import tpu_sc as plsc

_WS = 32
_D = 2 * _WS - 1
_H = 32
_N = _WS * _WS
_SPLIT = 16
_HB = 16 * _N


def _sc_body(tp_hbm, out_hbm, tbl_v, tall_v, buf_a, buf_b, sem, sem2):
    h = lax.axis_index("s") * 2 + lax.axis_index("c")
    pltpu.sync_copy(tp_hbm.at[h], tbl_v)

    out_base = h * _N * _N

    def per_j1(j1, _):
        w = _WS - 1 - j1
        base_j = j1 * 2 * _N

        def build_e(e, _):
            src_row = 2 * _WS - 1 - e
            base = base_j + e * _WS
            tall_v[pl.ds(base, 16)] = tbl_v[src_row, pl.ds(w, 16)]
            tall_v[pl.ds(base + 16, 16)] = tbl_v[src_row, pl.ds(w + 16, 16)]
            return 0

        lax.fori_loop(0, 64, build_e, 0, unroll=8)

        def fire_i1(i1, _):
            pltpu.async_copy(
                tall_v.at[pl.ds(base_j + (_WS - i1) * _WS, _N)],
                out_hbm.at[pl.ds(out_base + i1 * _WS * _N + j1 * _N, _N)],
                sem,
            )
            return 0

        return lax.fori_loop(0, _SPLIT, fire_i1, 0, unroll=4)

    lax.fori_loop(0, _WS, per_j1, 0)

    def _asm_fire(buf, k):
        i1 = _SPLIT + k // 2
        jh = k % 2

        def asm_j(jl, _):
            j1 = jh * 16 + jl
            src0 = j1 * 2 * _N + (_WS - i1) * _WS
            dst0 = jl * _N

            def asm_c(c, _):
                buf[pl.ds(dst0 + c * 16, 16)] = tall_v[pl.ds(src0 + c * 16, 16)]
                return 0

            return lax.fori_loop(0, 64, asm_c, 0, unroll=16)

        lax.fori_loop(0, 16, asm_j, 0)
        pltpu.async_copy(
            buf.at[:],
            out_hbm.at[pl.ds(out_base + i1 * _WS * _N + jh * _HB, _HB)],
            sem2,
        )

    n_hb = (_WS - _SPLIT) * 2

    def per_hb(k, _):
        @pl.when(k >= 2)
        def _():
            pltpu.make_async_copy(
                buf_a.at[:],
                out_hbm.at[pl.ds(out_base, _HB)],
                sem2,
            ).wait()

        @pl.when(k % 2 == 0)
        def _():
            _asm_fire(buf_a, k)

        @pl.when(k % 2 == 1)
        def _():
            _asm_fire(buf_b, k)

        return 0

    lax.fori_loop(0, n_hb, per_hb, 0)

    def drain2(k, _):
        pltpu.make_async_copy(
            buf_a.at[:], out_hbm.at[pl.ds(out_base, _HB)], sem2
        ).wait()
        return 0

    lax.fori_loop(0, 2, drain2, 0)

    def drain(k, _):
        pltpu.make_async_copy(
            tall_v.at[pl.ds(0, _N)],
            out_hbm.at[pl.ds(out_base + k * _N, _N)],
            sem,
        ).wait()
        return 0

    lax.fori_loop(0, _SPLIT * _WS, drain, 0, unroll=4)


def kernel(bias_table, relative_position_index):
    del relative_position_index
    t3 = bias_table.reshape(_D, _D, _H)
    tp = jnp.flip(t3, axis=1).transpose(2, 0, 1)
    tp = jnp.pad(tp, ((0, 0), (0, 64 - _D), (0, 128 - _D)))

    mesh = plsc.VectorSubcoreMesh(core_axis_name="c", subcore_axis_name="s")
    sck = functools.partial(
        pl.kernel,
        mesh=mesh,
        out_type=jax.ShapeDtypeStruct((_H * _N * _N,), jnp.float32),
        scratch_types=[
            pltpu.VMEM((64, 128), jnp.float32),
            pltpu.VMEM((_WS * 2 * _N,), jnp.float32),
            pltpu.VMEM((_HB,), jnp.float32),
            pltpu.VMEM((_HB,), jnp.float32),
            pltpu.SemaphoreType.DMA,
            pltpu.SemaphoreType.DMA,
        ],
    )(_sc_body)
    out_flat = sck(tp)
    return out_flat.reshape(_H, _N, _N)

# --- scband reference (transcript-rebuilt; emitter-appended) ---
"""Pipeline reference for scband-relative-position-bias-55250459295901 (READ-ONLY COPY).

The authoritative reference and input builder live on the scoring server;
editing this copy changes nothing except your own understanding.
"""

import jax, jax.numpy as jnp
import numpy as np

WS_H, WS_W = 32, 32
NUM_HEADS = 32


def _rel_pos_index():
    coords_h = np.arange(WS_H)
    coords_w = np.arange(WS_W)
    coords = np.stack(np.meshgrid(coords_h, coords_w, indexing='ij'))
    coords_flat = coords.reshape(2, -1)
    rel = coords_flat[:, :, None] - coords_flat[:, None, :]
    rel = rel.transpose(1, 2, 0).copy()
    rel[:, :, 0] += WS_H - 1
    rel[:, :, 1] += WS_W - 1
    rel[:, :, 0] *= 2 * WS_W - 1
    return rel.sum(-1)


def setup_inputs(seed: int = 0) -> dict:
    key = jax.random.key(seed)
    table_rows = (2 * WS_H - 1) * (2 * WS_W - 1)
    bias_table = jax.random.truncated_normal(key, -2.0, 2.0, (table_rows, NUM_HEADS), dtype=jnp.float32) * 0.02
    relative_position_index = jnp.asarray(_rel_pos_index(), dtype=jnp.int32)
    return {"bias_table": bias_table, "relative_position_index": relative_position_index}


def reference(bias_table, relative_position_index):
    n = WS_H * WS_W
    idx = relative_position_index.reshape(-1)
    bias = jnp.take(bias_table, idx, axis=0).reshape(n, n, NUM_HEADS)
    return jnp.transpose(bias, (2, 0, 1))

if __name__ == "__main__":
    import jax
    _d = setup_inputs()
    print(jax.jit(kernel)(*tuple(_d.values())))

</pallas_src>

<mosaic_0001>
#map = affine_map<(d0, d1) -> (0, 0, 0)>
#map1 = affine_map<(d0, d1) -> (0)>
module attributes {stable_mosaic.version = 14 : i64} {
  func.func @_sc_body(%arg0: i32, %arg1: i32, %arg2: memref<32x64x128xf32, #tpu.memory_space<hbm>>, %arg3: memref<33554432xf32, #tpu.memory_space<hbm>>, %arg4: memref<64x128xf32, #tpu.memory_space<vmem>>, %arg5: memref<65536xf32, #tpu.memory_space<vmem>>, %arg6: memref<16384xf32, #tpu.memory_space<vmem>>, %arg7: memref<16384xf32, #tpu.memory_space<vmem>>, %arg8: memref<!tpu.dma_semaphore, #tpu.memory_space<semaphore_mem>>, %arg9: memref<!tpu.dma_semaphore, #tpu.memory_space<semaphore_mem>>) attributes {dimension_semantics = [#tpu.dimension_semantics<core_parallel>, #tpu.dimension_semantics<subcore_parallel>], iteration_bounds = array<i64: 2, 16>, scalar_prefetch = 0 : i64, scratch_operands = 6 : i64, tpu.core_type = #tpu.core_type<sc_vector_subcore>, window_params = [{transform_indices = #map}, {transform_indices = #map1}]} {
    %mul3A = arith.constant 2 : i32
    %mul3A_0 = arith.muli %arg1, %mul3A : i32
    %add3A = arith.addi %mul3A_0, %arg0 : i32
    "tpu.region"() ({
      %run_scoped3A = tpu.sem_alloc : memref<!tpu.dma_semaphore, #tpu.memory_space<semaphore_mem>>
      %dma_start3A = arith.constant 0 : i32
      %dma_start3A_32 = arith.constant 0 : i32
      %dma_start3A_33 = tpu.memref_slice %arg2[%add3A, %dma_start3A, %dma_start3A_32] : memref<32x64x128xf32, #tpu.memory_space<hbm>> -> memref<1x64x128xf32, #tpu.memory_space<hbm>>
      %dma_start3A_34 = tpu.memref_squeeze %dma_start3A_33 : memref<1x64x128xf32, #tpu.memory_space<hbm>> -> memref<64x128xf32, #tpu.memory_space<hbm>>
      %dma_start3A_35 = arith.constant 0 : i32
      %dma_start3A_36 = arith.constant 0 : i32
      %dma_start3A_37 = tpu.memref_slice %arg2[%add3A, %dma_start3A_35, %dma_start3A_36] : memref<32x64x128xf32, #tpu.memory_space<hbm>> -> memref<1x64x128xf32, #tpu.memory_space<hbm>>
      %dma_start3A_38 = tpu.memref_squeeze %dma_start3A_37 : memref<1x64x128xf32, #tpu.memory_space<hbm>> -> memref<64x128xf32, #tpu.memory_space<hbm>>
      tpu.enqueue_dma source(%dma_start3A_38 : memref<64x128xf32, #tpu.memory_space<hbm>>) target(%arg4 : memref<64x128xf32, #tpu.memory_space<vmem>>) target_semaphore(%run_scoped3A : memref<!tpu.dma_semaphore, #tpu.memory_space<semaphore_mem>>)
      %dma_wait3A = arith.constant 0 : i32
      %dma_wait3A_39 = arith.constant 0 : i32
      %dma_wait3A_40 = tpu.memref_slice %arg2[%add3A, %dma_wait3A, %dma_wait3A_39] : memref<32x64x128xf32, #tpu.memory_space<hbm>> -> memref<1x64x128xf32, #tpu.memory_space<hbm>>
      %dma_wait3A_41 = tpu.memref_squeeze %dma_wait3A_40 : memref<1x64x128xf32, #tpu.memory_space<hbm>> -> memref<64x128xf32, #tpu.memory_space<hbm>>
      %dma_wait3A_42 = arith.constant 0 : i32
      %dma_wait3A_43 = arith.constant 0 : i32
      %dma_wait3A_44 = tpu.memref_slice %arg2[%add3A, %dma_wait3A_42, %dma_wait3A_43] : memref<32x64x128xf32, #tpu.memory_space<hbm>> -> memref<1x64x128xf32, #tpu.memory_space<hbm>>
      %dma_wait3A_45 = tpu.memref_squeeze %dma_wait3A_44 : memref<1x64x128xf32, #tpu.memory_space<hbm>> -> memref<64x128xf32, #tpu.memory_space<hbm>>
      tpu.wait_dma2 semaphore(%run_scoped3A : memref<!tpu.dma_semaphore, #tpu.memory_space<semaphore_mem>>) src(%dma_wait3A_45 : memref<64x128xf32, #tpu.memory_space<hbm>>) dst(%arg4 : memref<64x128xf32, #tpu.memory_space<vmem>>)
      tpu.yield
    }) : () -> ()
    %mul3A_1 = arith.constant 1024 : i32
    %mul3A_2 = arith.muli %add3A, %mul3A_1 : i32
    %mul3A_3 = arith.constant 1024 : i32
    %mul3A_4 = arith.muli %mul3A_2, %mul3A_3 : i32
    %scan3A = arith.constant 0 : i32
    %scan3A_5 = arith.constant 0 : i32
    %scan3A_6 = arith.constant 32 : i32
    %scan3A_7 = arith.addi %scan3A_5, %scan3A_6 : i32
    %scan3A_8 = arith.constant 1 : i32
    %scan3A_9 = scf.for %scan3A_32 = %scan3A_5 to %scan3A_7 step %scan3A_8 iter_args(%scan3A_33 = %scan3A) -> (i32)  : i32 {
      %sub3A = arith.constant 31 : i32
      %sub3A_34 = arith.subi %sub3A, %scan3A_32 : i32
      %mul3A_35 = arith.constant 2 : i32
      %mul3A_36 = arith.muli %scan3A_32, %mul3A_35 : i32
      %mul3A_37 = arith.constant 1024 : i32
      %mul3A_38 = arith.muli %mul3A_36, %mul3A_37 : i32
      %scan3A_39 = arith.constant 0 : i32
      %scan3A_40 = arith.constant 0 : i32
      %scan3A_41 = arith.constant 64 : i32
      %scan3A_42 = arith.addi %scan3A_40, %scan3A_41 : i32
      %scan3A_43 = arith.constant 8 : i32
      %scan3A_44 = scf.for %scan3A_53 = %scan3A_40 to %scan3A_42 step %scan3A_43 iter_args(%scan3A_54 = %scan3A_39) -> (i32)  : i32 {
        %sub3A_55 = arith.constant 63 : i32
        %sub3A_56 = arith.subi %sub3A_55, %scan3A_53 : i32
        %mul3A_57 = arith.constant 32 : i32
        %mul3A_58 = arith.muli %scan3A_53, %mul3A_57 : i32
        %add3A_59 = arith.addi %mul3A_38, %mul3A_58 : i32
        %get3A = arith.index_cast %sub3A_56 : i32 to index
        %get3A_60 = arith.index_cast %sub3A_34 : i32 to index
        %get3A_61 = tpu.vector_load %arg4[%get3A, %get3A_60] {strides = array<i32>} : memref<64x128xf32, #tpu.memory_space<vmem>>, vector<1x16xf32>,
        %get3A_62 = vector.shape_cast %get3A_61 : vector<1x16xf32> to vector<16xf32>
        %swap3A = arith.index_cast %add3A_59 : i32 to index
        %swap3A_63 = tpu.vector_load %arg5[%swap3A] {strides = array<i32>} : memref<65536xf32, #tpu.memory_space<vmem>>, vector<16xf32>,
        %swap3A_64 = vector.shape_cast %swap3A_63 : vector<16xf32> to vector<16xf32>
        %swap3A_65 = vector.shape_cast %get3A_62 : vector<16xf32> to vector<16xf32>
        tpu.vector_store %arg5[%swap3A], %swap3A_65 {strides = array<i32>} : memref<65536xf32, #tpu.memory_space<vmem>>, vector<16xf32>,
        %add3A_66 = arith.constant 16 : i32
        %add3A_67 = arith.addi %sub3A_34, %add3A_66 : i32
        %get3A_68 = arith.index_cast %sub3A_56 : i32 to index
        %get3A_69 = arith.index_cast %add3A_67 : i32 to index
        %get3A_70 = tpu.vector_load %arg4[%get3A_68, %get3A_69] {strides = array<i32>} : memref<64x128xf32, #tpu.memory_space<vmem>>, vector<1x16xf32>,
        %get3A_71 = vector.shape_cast %get3A_70 : vector<1x16xf32> to vector<16xf32>
        %add3A_72 = arith.constant 16 : i32
        %add3A_73 = arith.addi %add3A_59, %add3A_72 : i32
        %swap3A_74 = arith.index_cast %add3A_73 : i32 to index
        %swap3A_75 = tpu.vector_load %arg5[%swap3A_74] {strides = array<i32>} : memref<65536xf32, #tpu.memory_space<vmem>>, vector<16xf32>,
        %swap3A_76 = vector.shape_cast %swap3A_75 : vector<16xf32> to vector<16xf32>
        %swap3A_77 = vector.shape_cast %get3A_71 : vector<16xf32> to vector<16xf32>
        tpu.vector_store %arg5[%swap3A_74], %swap3A_77 {strides = array<i32>} : memref<65536xf32, #tpu.memory_space<vmem>>, vector<16xf32>,
        %scan3A_78 = arith.constant 0 : i32
        %scan3A_79 = arith.constant 1 : i32
        %scan3A_80 = arith.addi %scan3A_53, %scan3A_79 : i32
        %sub3A_81 = arith.constant 63 : i32
        %sub3A_82 = arith.subi %sub3A_81, %scan3A_80 : i32
        %mul3A_83 = arith.constant 32 : i32
        %mul3A_84 = arith.muli %scan3A_80, %mul3A_83 : i32
        %add3A_85 = arith.addi %mul3A_38, %mul3A_84 : i32
        %get3A_86 = arith.index_cast %sub3A_82 : i32 to index
        %get3A_87 = arith.index_cast %sub3A_34 : i32 to index
        %get3A_88 = tpu.vector_load %arg4[%get3A_86, %get3A_87] {strides = array<i32>} : memref<64x128xf32, #tpu.memory_space<vmem>>, vector<1x16xf32>,
        %get3A_89 = vector.shape_cast %get3A_88 : vector<1x16xf32> to vector<16xf32>
        %swap3A_90 = arith.index_cast %add3A_85 : i32 to index
        %swap3A_91 = tpu.vector_load %arg5[%swap3A_90] {strides = array<i32>} : memref<65536xf32, #tpu.memory_space<vmem>>, vector<16xf32>,
        %swap3A_92 = vector.shape_cast %swap3A_91 : vector<16xf32> to vector<16xf32>
        %swap3A_93 = vector.shape_cast %get3A_89 : vector<16xf32> to vector<16xf32>
        tpu.vector_store %arg5[%swap3A_90], %swap3A_93 {strides = array<i32>} : memref<65536xf32, #tpu.memory_space<vmem>>, vector<16xf32>,
        %add3A_94 = arith.constant 16 : i32
        %add3A_95 = arith.addi %sub3A_34, %add3A_94 : i32
        %get3A_96 = arith.index_cast %sub3A_82 : i32 to index
        %get3A_97 = arith.index_cast %add3A_95 : i32 to index
        %get3A_98 = tpu.vector_load %arg4[%get3A_96, %get3A_97] {strides = array<i32>} : memref<64x128xf32, #tpu.memory_space<vmem>>, vector<1x16xf32>,
        %get3A_99 = vector.shape_cast %get3A_98 : vector<1x16xf32> to vector<16xf32>
        %add3A_100 = arith.constant 16 : i32
        %add3A_101 = arith.addi %add3A_85, %add3A_100 : i32
        %swap3A_102 = arith.index_cast %add3A_101 : i32 to index
        %swap3A_103 = tpu.vector_load %arg5[%swap3A_102] {strides = array<i32>} : memref<65536xf32, #tpu.memory_space<vmem>>, vector<16xf32>,
        %swap3A_104 = vector.shape_cast %swap3A_103 : vector<16xf32> to vector<16xf32>
        %swap3A_105 = vector.shape_cast %get3A_99 : vector<16xf32> to vector<16xf32>
        tpu.vector_store %arg5[%swap3A_102], %swap3A_105 {strides = array<i32>} : memref<65536xf32, #tpu.memory_space<vmem>>, vector<16xf32>,
        %scan3A_106 = arith.constant 0 : i32
        %scan3A_107 = arith.constant 2 : i32
        %scan3A_108 = arith.addi %scan3A_53, %scan3A_107 : i32
        %sub3A_109 = arith.constant 63 : i32
        %sub3A_110 = arith.subi %sub3A_109, %scan3A_108 : i32
        %mul3A_111 = arith.constant 32 : i32
        %mul3A_112 = arith.muli %scan3A_108, %mul3A_111 : i32
        %add3A_113 = arith.addi %mul3A_38, %mul3A_112 : i32
        %get3A_114 = arith.index_cast %sub3A_110 : i32 to index
        %get3A_115 = arith.index_cast %sub3A_34 : i32 to index
        %get3A_116 = tpu.vector_load %arg4[%get3A_114, %get3A_115] {strides = array<i32>} : memref<64x128xf32, #tpu.memory_space<vmem>>, vector<1x16xf32>,
        %get3A_117 = vector.shape_cast %get3A_116 : vector<1x16xf32> to vector<16xf32>
        %swap3A_118 = arith.index_cast %add3A_113 : i32 to index
        %swap3A_119 = tpu.vector_load %arg5[%swap3A_118] {strides = array<i32>} : memref<65536xf32, #tpu.memory_space<vmem>>, vector<16xf32>,
        %swap3A_120 = vector.shape_cast %swap3A_119 : vector<16xf32> to vector<16xf32>
        %swap3A_121 = vector.shape_cast %get3A_117 : vector<16xf32> to vector<16xf32>
        tpu.vector_store %arg5[%swap3A_118], %swap3A_121 {strides = array<i32>} : memref<65536xf32, #tpu.memory_space<vmem>>, vector<16xf32>,
        %add3A_122 = arith.constant 16 : i32
        %add3A_123 = arith.addi %sub3A_34, %add3A_122 : i32
        %get3A_124 = arith.index_cast %sub3A_110 : i32 to index
        %get3A_125 = arith.index_cast %add3A_123 : i32 to index
        %get3A_126 = tpu.vector_load %arg4[%get3A_124, %get3A_125] {strides = array<i32>} : memref<64x128xf32, #tpu.memory_space<vmem>>, vector<1x16xf32>,
        %get3A_127 = vector.shape_cast %get3A_126 : vector<1x16xf32> to vector<16xf32>
        %add3A_128 = arith.constant 16 : i32
        %add3A_129 = arith.addi %add3A_113, %add3A_128 : i32
        %swap3A_130 = arith.index_cast %add3A_129 : i32 to index
        %swap3A_131 = tpu.vector_load %arg5[%swap3A_130] {strides = array<i32>} : memref<65536xf32, #tpu.memory_space<vmem>>, vector<16xf32>,
        %swap3A_132 = vector.shape_cast %swap3A_131 : vector<16xf32> to vector<16xf32>
        %swap3A_133 = vector.shape_cast %get3A_127 : vector<16xf32> to vector<16xf32>
        tpu.vector_store %arg5[%swap3A_130], %swap3A_133 {strides = array<i32>} : memref<65536xf32, #tpu.memory_space<vmem>>, vector<16xf32>,
        %scan3A_134 = arith.constant 0 : i32
        %scan3A_135 = arith.constant 3 : i32
        %scan3A_136 = arith.addi %scan3A_53, %scan3A_135 : i32
        %sub3A_137 = arith.constant 63 : i32
        %sub3A_138 = arith.subi %sub3A_137, %scan3A_136 : i32
        %mul3A_139 = arith.constant 32 : i32
        %mul3A_140 = arith.muli %scan3A_136, %mul3A_139 : i32
        %add3A_141 = arith.addi %mul3A_38, %mul3A_140 : i32
        %get3A_142 = arith.index_cast %sub3A_138 : i32 to index
        %get3A_143 = arith.index_cast %sub3A_34 : i32 to index
        %get3A_144 = tpu.vector_load %arg4[%get3A_142, %get3A_143] {strides = array<i32>} : memref<64x128xf32, #tpu.memory_space<vmem>>, vector<1x16xf32>,
        %get3A_145 = vector.shape_cast %get3A_144 : vector<1x16xf32> to vector<16xf32>
        %swap3A_146 = arith.index_cast %add3A_141 : i32 to index
        %swap3A_147 = tpu.vector_load %arg5[%swap3A_146] {strides = array<i32>} : memref<65536xf32, #tpu.memory_space<vmem>>, vector<16xf32>,
        %swap3A_148 = vector.shape_cast %swap3A_147 : vector<16xf32> to vector<16xf32>
        %swap3A_149 = vector.shape_cast %get3A_145 : vector<16xf32> to vector<16xf32>
        tpu.vector_store %arg5[%swap3A_146], %swap3A_149 {strides = array<i32>} : memref<65536xf32, #tpu.memory_space<vmem>>, vector<16xf32>,
        %add3A_150 = arith.constant 16 : i32
        %add3A_151 = arith.addi %sub3A_34, %add3A_150 : i32
        %get3A_152 = arith.index_cast %sub3A_138 : i32 to index
        %get3A_153 = arith.index_cast %add3A_151 : i32 to index
        %get3A_154 = tpu.vector_load %arg4[%get3A_152, %get3A_153] {strides = array<i32>} : memref<64x128xf32, #tpu.memory_space<vmem>>, vector<1x16xf32>,
        %get3A_155 = vector.shape_cast %get3A_154 : vector<1x16xf32> to vector<16xf32>
        %add3A_156 = arith.constant 16 : i32
        %add3A_157 = arith.addi %add3A_141, %add3A_156 : i32
        %swap3A_158 = arith.index_cast %add3A_157 : i32 to index
        %swap3A_159 = tpu.vector_load %arg5[%swap3A_158] {strides = array<i32>} : memref<65536xf32, #tpu.memory_space<vmem>>, vector<16xf32>,
        %swap3A_160 = vector.shape_cast %swap3A_159 : vector<16xf32> to vector<16xf32>
        %swap3A_161 = vector.shape_cast %get3A_155 : vector<16xf32> to vector<16xf32>
        tpu.vector_store %arg5[%swap3A_158], %swap3A_161 {strides = array<i32>} : memref<65536xf32, #tpu.memory_space<vmem>>, vector<16xf32>,
        %scan3A_162 = arith.constant 0 : i32
        %scan3A_163 = arith.constant 4 : i32
        %scan3A_164 = arith.addi %scan3A_53, %scan3A_163 : i32
        %sub3A_165 = arith.constant 63 : i32
        %sub3A_166 = arith.subi %sub3A_165, %scan3A_164 : i32
        %mul3A_167 = arith.constant 32 : i32
        %mul3A_168 = arith.muli %scan3A_164, %mul3A_167 : i32
        %add3A_169 = arith.addi %mul3A_38, %mul3A_168 : i32
        %get3A_170 = arith.index_cast %sub3A_166 : i32 to index
        %get3A_171 = arith.index_cast %sub3A_34 : i32 to index
        %get3A_172 = tpu.vector_load %arg4[%get3A_170, %get3A_171] {strides = array<i32>} : memref<64x128xf32, #tpu.memory_space<vmem>>, vector<1x16xf32>,
        %get3A_173 = vector.shape_cast %get3A_172 : vector<1x16xf32> to vector<16xf32>
        %swap3A_174 = arith.index_cast %add3A_169 : i32 to index
        %swap3A_175 = tpu.vector_load %arg5[%swap3A_174] {strides = array<i32>} : memref<65536xf32, #tpu.memory_space<vmem>>, vector<16xf32>,
        %swap3A_176 = vector.shape_cast %swap3A_175 : vector<16xf32> to vector<16xf32>
        %swap3A_177 = vector.shape_cast %get3A_173 : vector<16xf32> to vector<16xf32>
        tpu.vector_store %arg5[%swap3A_174], %swap3A_177 {strides = array<i32>} : memref<65536xf32, #tpu.memory_space<vmem>>, vector<16xf32>,
        %add3A_178 = arith.constant 16 : i32
        %add3A_179 = arith.addi %sub3A_34, %add3A_178 : i32
        %get3A_180 = arith.index_cast %sub3A_166 : i32 to index
        %get3A_181 = arith.index_cast %add3A_179 : i32 to index
        %get3A_182 = tpu.vector_load %arg4[%get3A_180, %get3A_181] {strides = array<i32>} : memref<64x128xf32, #tpu.memory_space<vmem>>, vector<1x16xf32>,
        %get3A_183 = vector.shape_cast %get3A_182 : vector<1x16xf32> to vector<16xf32>
        %add3A_184 = arith.constant 16 : i32
        %add3A_185 = arith.addi %add3A_169, %add3A_184 : i32
        %swap3A_186 = arith.index_cast %add3A_185 : i32 to index
        %swap3A_187 = tpu.vector_load %arg5[%swap3A_186] {strides = array<i32>} : memref<65536xf32, #tpu.memory_space<vmem>>, vector<16xf32>,
        %swap3A_188 = vector.shape_cast %swap3A_187 : vector<16xf32> to vector<16xf32>
        %swap3A_189 = vector.shape_cast %get3A_183 : vector<16xf32> to vector<16xf32>
        tpu.vector_store %arg5[%swap3A_186], %swap3A_189 {strides = array<i32>} : memref<65536xf32, #tpu.memory_space<vmem>>, vector<16xf32>,
        %scan3A_190 = arith.constant 0 : i32
        %scan3A_191 = arith.constant 5 : i32
        %scan3A_192 = arith.addi %scan3A_53, %scan3A_191 : i32
        %sub3A_193 = arith.constant 63 : i32
        %sub3A_194 = arith.subi %sub3A_193, %scan3A_192 : i32
        %mul3A_195 = arith.constant 32 : i32
        %mul3A_196 = arith.muli %scan3A_192, %mul3A_195 : i32
        %add3A_197 = arith.addi %mul3A_38, %mul3A_196 : i32
        %get3A_198 = arith.index_cast %sub3A_194 : i32 to index
        %get3A_199 = arith.index_cast %sub3A_34 : i32 to index
        %get3A_200 = tpu.vector_load %arg4[%get3A_198, %get3A_199] {strides = array<i32>} : memref<64x128xf32, #tpu.memory_space<vmem>>, vector<1x16xf32>,
        %get3A_201 = vector.shape_cast %get3A_200 : vector<1x16xf32> to vector<16xf32>
        %swap3A_202 = arith.index_cast %add3A_197 : i32 to index
        %swap3A_203 = tpu.vector_load %arg5[%swap3A_202] {strides = array<i32>} : memref<65536xf32, #tpu.memory_space<vmem>>, vector<16xf32>,
        %swap3A_204 = vector.shape_cast %swap3A_203 : vector<16xf32> to vector<16xf32>
        %swap3A_205 = vector.shape_cast %get3A_201 : vector<16xf32> to vector<16xf32>
        tpu.vector_store %arg5[%swap3A_202], %swap3A_205 {strides = array<i32>} : memref<65536xf32, #tpu.memory_space<vmem>>, vector<16xf32>,
        %add3A_206 = arith.constant 16 : i32
        %add3A_207 = arith.addi %sub3A_34, %add3A_206 : i32
        %get3A_208 = arith.index_cast %sub3A_194 : i32 to index
        %get3A_209 = arith.index_cast %add3A_207 : i32 to index
        %get3A_210 = tpu.vector_load %arg4[%get3A_208, %get3A_209] {strides = array<i32>} : memref<64x128xf32, #tpu.memory_space<vmem>>, vector<1x16xf32>,
        %get3A_211 = vector.shape_cast %get3A_210 : vector<1x16xf32> to vector<16xf32>
        %add3A_212 = arith.constant 16 : i32
        %add3A_213 = arith.addi %add3A_197, %add3A_212 : i32
        %swap3A_214 = arith.index_cast %add3A_213 : i32 to index
        %swap3A_215 = tpu.vector_load %arg5[%swap3A_214] {strides = array<i32>} : memref<65536xf32, #tpu.memory_space<vmem>>, vector<16xf32>,
        %swap3A_216 = vector.shape_cast %swap3A_215 : vector<16xf32> to vector<16xf32>
        %swap3A_217 = vector.shape_cast %get3A_211 : vector<16xf32> to vector<16xf32>
        tpu.vector_store %arg5[%swap3A_214], %swap3A_217 {strides = array<i32>} : memref<65536xf32, #tpu.memory_space<vmem>>, vector<16xf32>,
        %scan3A_218 = arith.constant 0 : i32
        %scan3A_219 = arith.constant 6 : i32
        %scan3A_220 = arith.addi %scan3A_53, %scan3A_219 : i32
        %sub3A_221 = arith.constant 63 : i32
        %sub3A_222 = arith.subi %sub3A_221, %scan3A_220 : i32
        %mul3A_223 = arith.constant 32 : i32
        %mul3A_224 = arith.muli %scan3A_220, %mul3A_223 : i32
        %add3A_225 = arith.addi %mul3A_38, %mul3A_224 : i32
        %get3A_226 = arith.index_cast %sub3A_222 : i32 to index
        %get3A_227 = arith.index_cast %sub3A_34 : i32 to index
        %get3A_228 = tpu.vector_load %arg4[%get3A_226, %get3A_227] {strides = array<i32>} : memref<64x128xf32, #tpu.memory_space<vmem>>, vector<1x16xf32>,
        %get3A_229 = vector.shape_cast %get3A_228 : vector<1x16xf32> to vector<16xf32>
        %swap3A_230 = arith.index_cast %add3A_225 : i32 to index
        %swap3A_231 = tpu.vector_load %arg5[%swap3A_230] {strides = array<i32>} : memref<65536xf32, #tpu.memory_space<vmem>>, vector<16xf32>,
        %swap3A_232 = vector.shape_cast %swap3A_231 : vector<16xf32> to vector<16xf32>
        %swap3A_233 = vector.shape_cast %get3A_229 : vector<16xf32> to vector<16xf32>
        tpu.vector_store %arg5[%swap3A_230], %swap3A_233 {strides = array<i32>} : memref<65536xf32, #tpu.memory_space<vmem>>, vector<16xf32>,
        %add3A_234 = arith.constant 16 : i32
        %add3A_235 = arith.addi %sub3A_34, %add3A_234 : i32
        %get3A_236 = arith.index_cast %sub3A_222 : i32 to index
        %get3A_237 = arith.index_cast %add3A_235 : i32 to index
        %get3A_238 = tpu.vector_load %arg4[%get3A_236, %get3A_237] {strides = array<i32>} : memref<64x128xf32, #tpu.memory_space<vmem>>, vector<1x16xf32>,
        %get3A_239 = vector.shape_cast %get3A_238 : vector<1x16xf32> to vector<16xf32>
        %add3A_240 = arith.constant 16 : i32
        %add3A_241 = arith.addi %add3A_225, %add3A_240 : i32
        %swap3A_242 = arith.index_cast %add3A_241 : i32 to index
        %swap3A_243 = tpu.vector_load %arg5[%swap3A_242] {strides = array<i32>} : memref<65536xf32, #tpu.memory_space<vmem>>, vector<16xf32>,
        %swap3A_244 = vector.shape_cast %swap3A_243 : vector<16xf32> to vector<16xf32>
        %swap3A_245 = vector.shape_cast %get3A_239 : vector<16xf32> to vector<16xf32>
        tpu.vector_store %arg5[%swap3A_242], %swap3A_245 {strides = array<i32>} : memref<65536xf32, #tpu.memory_space<vmem>>, vector<16xf32>,
        %scan3A_246 = arith.constant 0 : i32
        %scan3A_247 = arith.constant 7 : i32
        %scan3A_248 = arith.addi %scan3A_53, %scan3A_247 : i32
        %sub3A_249 = arith.constant 63 : i32
        %sub3A_250 = arith.subi %sub3A_249, %scan3A_248 : i32
        %mul3A_251 = arith.constant 32 : i32
        %mul3A_252 = arith.muli %scan3A_248, %mul3A_251 : i32
        %add3A_253 = arith.addi %mul3A_38, %mul3A_252 : i32
        %get3A_254 = arith.index_cast %sub3A_250 : i32 to index
        %get3A_255 = arith.index_cast %sub3A_34 : i32 to index
        %get3A_256 = tpu.vector_load %arg4[%get3A_254, %get3A_255] {strides = array<i32>} : memref<64x128xf32, #tpu.memory_space<vmem>>, vector<1x16xf32>,
        %get3A_257 = vector.shape_cast %get3A_256 : vector<1x16xf32> to vector<16xf32>
        %swap3A_258 = arith.index_cast %add3A_253 : i32 to index
        %swap3A_259 = tpu.vector_load %arg5[%swap3A_258] {strides = array<i32>} : memref<65536xf32, #tpu.memory_space<vmem>>, vector<16xf32>,
        %swap3A_260 = vector.shape_cast %swap3A_259 : vector<16xf32> to vector<16xf32>
        %swap3A_261 = vector.shape_cast %get3A_257 : vector<16xf32> to vector<16xf32>
        tpu.vector_store %arg5[%swap3A_258], %swap3A_261 {strides = array<i32>} : memref<65536xf32, #tpu.memory_space<vmem>>, vector<16xf32>,
        %add3A_262 = arith.constant 16 : i32
        %add3A_263 = arith.addi %sub3A_34, %add3A_262 : i32
        %get3A_264 = arith.index_cast %sub3A_250 : i32 to index
        %get3A_265 = arith.index_cast %add3A_263 : i32 to index
        %get3A_266 = tpu.vector_load %arg4[%get3A_264, %get3A_265] {strides = array<i32>} : memref<64x128xf32, #tpu.memory_space<vmem>>, vector<1x16xf32>,
        %get3A_267 = vector.shape_cast %get3A_266 : vector<1x16xf32> to vector<16xf32>
        %add3A_268 = arith.constant 16 : i32
        %add3A_269 = arith.addi %add3A_253, %add3A_268 : i32
        %swap3A_270 = arith.index_cast %add3A_269 : i32 to index
        %swap3A_271 = tpu.vector_load %arg5[%swap3A_270] {strides = array<i32>} : memref<65536xf32, #tpu.memory_space<vmem>>, vector<16xf32>,
        %swap3A_272 = vector.shape_cast %swap3A_271 : vector<16xf32> to vector<16xf32>
        %swap3A_273 = vector.shape_cast %get3A_267 : vector<16xf32> to vector<16xf32>
        tpu.vector_store %arg5[%swap3A_270], %swap3A_273 {strides = array<i32>} : memref<65536xf32, #tpu.memory_space<vmem>>, vector<16xf32>,
        %scan3A_274 = arith.constant 0 : i32
        scf.yield %scan3A_274 : i32
      }
      %scan3A_45 = arith.constant 64 : i32
      %scan3A_46 = arith.constant 0 : i32
      %scan3A_47 = arith.constant 0 : i32
      %scan3A_48 = arith.constant 16 : i32
      %scan3A_49 = arith.addi %scan3A_47, %scan3A_48 : i32
      %scan3A_50 = arith.constant 4 : i32
      %scan3A_51 = scf.for %scan3A_53 = %scan3A_47 to %scan3A_49 step %scan3A_50 iter_args(%scan3A_54 = %scan3A_46) -> (i32)  : i32 {
        %sub3A_55 = arith.constant 32 : i32
        %sub3A_56 = arith.subi %sub3A_55, %scan3A_53 : i32
        %mul3A_57 = arith.constant 32 : i32
        %mul3A_58 = arith.muli %sub3A_56, %mul3A_57 : i32
        %add3A_59 = arith.addi %mul3A_38, %mul3A_58 : i32
        %mul3A_60 = arith.constant 32 : i32
        %mul3A_61 = arith.muli %scan3A_53, %mul3A_60 : i32
        %mul3A_62 = arith.constant 1024 : i32
        %mul3A_63 = arith.muli %mul3A_61, %mul3A_62 : i32
        %add3A_64 = arith.addi %mul3A_4, %mul3A_63 : i32
        %mul3A_65 = arith.constant 1024 : i32
        %mul3A_66 = arith.muli %scan3A_32, %mul3A_65 : i32
        %add3A_67 = arith.addi %add3A_64, %mul3A_66 : i32
        %dma_start3A = tpu.memref_slice %arg5[%add3A_59] : memref<65536xf32, #tpu.memory_space<vmem>> -> memref<1024xf32, #tpu.memory_space<vmem>>
        %dma_start3A_68 = tpu.memref_slice %arg3[%add3A_67] : memref<33554432xf32, #tpu.memory_space<hbm>> -> memref<1024xf32, #tpu.memory_space<hbm>>
        %dma_start3A_69 = tpu.memref_slice %arg3[%add3A_67] : memref<33554432xf32, #tpu.memory_space<hbm>> -> memref<1024xf32, #tpu.memory_space<hbm>>
        %dma_start3A_70 = tpu.memref_slice %arg5[%add3A_59] : memref<65536xf32, #tpu.memory_space<vmem>> -> memref<1024xf32, #tpu.memory_space<vmem>>
        tpu.enqueue_dma source(%dma_start3A_70 : memref<1024xf32, #tpu.memory_space<vmem>>) target(%dma_start3A_69 : memref<1024xf32, #tpu.memory_space<hbm>>) target_semaphore(%arg8 : memref<!tpu.dma_semaphore, #tpu.memory_space<semaphore_mem>>)
        %scan3A_71 = arith.constant 0 : i32
        %scan3A_72 = arith.constant 1 : i32
        %scan3A_73 = arith.addi %scan3A_53, %scan3A_72 : i32
        %sub3A_74 = arith.constant 32 : i32
        %sub3A_75 = arith.subi %sub3A_74, %scan3A_73 : i32
        %mul3A_76 = arith.constant 32 : i32
        %mul3A_77 = arith.muli %sub3A_75, %mul3A_76 : i32
        %add3A_78 = arith.addi %mul3A_38, %mul3A_77 : i32
        %mul3A_79 = arith.constant 32 : i32
        %mul3A_80 = arith.muli %scan3A_73, %mul3A_79 : i32
        %mul3A_81 = arith.constant 1024 : i32
        %mul3A_82 = arith.muli %mul3A_80, %mul3A_81 : i32
        %add3A_83 = arith.addi %mul3A_4, %mul3A_82 : i32
        %mul3A_84 = arith.constant 1024 : i32
        %mul3A_85 = arith.muli %scan3A_32, %mul3A_84 : i32
        %add3A_86 = arith.addi %add3A_83, %mul3A_85 : i32
        %dma_start3A_87 = tpu.memref_slice %arg5[%add3A_78] : memref<65536xf32, #tpu.memory_space<vmem>> -> memref<1024xf32, #tpu.memory_space<vmem>>
        %dma_start3A_88 = tpu.memref_slice %arg3[%add3A_86] : memref<33554432xf32, #tpu.memory_space<hbm>> -> memref<1024xf32, #tpu.memory_space<hbm>>
        %dma_start3A_89 = tpu.memref_slice %arg3[%add3A_86] : memref<33554432xf32, #tpu.memory_space<hbm>> -> memref<1024xf32, #tpu.memory_space<hbm>>
        %dma_start3A_90 = tpu.memref_slice %arg5[%add3A_78] : memref<65536xf32, #tpu.memory_space<vmem>> -> memref<1024xf32, #tpu.memory_space<vmem>>
        tpu.enqueue_dma source(%dma_start3A_90 : memref<1024xf32, #tpu.memory_space<vmem>>) target(%dma_start3A_89 : memref<1024xf32, #tpu.memory_space<hbm>>) target_semaphore(%arg8 : memref<!tpu.dma_semaphore, #tpu.memory_space<semaphore_mem>>)
        %scan3A_91 = arith.constant 0 : i32
        %scan3A_92 = arith.constant 2 : i32
        %scan3A_93 = arith.addi %scan3A_53, %scan3A_92 : i32
        %sub3A_94 = arith.constant 32 : i32
        %sub3A_95 = arith.subi %sub3A_94, %scan3A_93 : i32
        %mul3A_96 = arith.constant 32 : i32
        %mul3A_97 = arith.muli %sub3A_95, %mul3A_96 : i32
        %add3A_98 = arith.addi %mul3A_38, %mul3A_97 : i32
        %mul3A_99 = arith.constant 32 : i32
        %mul3A_100 = arith.muli %scan3A_93, %mul3A_99 : i32
        %mul3A_101 = arith.constant 1024 : i32
        %mul3A_102 = arith.muli %mul3A_100, %mul3A_101 : i32
        %add3A_103 = arith.addi %mul3A_4, %mul3A_102 : i32
        %mul3A_104 = arith.constant 1024 : i32
        %mul3A_105 = arith.muli %scan3A_32, %mul3A_104 : i32
        %add3A_106 = arith.addi %add3A_103, %mul3A_105 : i32
        %dma_start3A_107 = tpu.memref_slice %arg5[%add3A_98] : memref<65536xf32, #tpu.memory_space<vmem>> -> memref<1024xf32, #tpu.memory_space<vmem>>
        %dma_start3A_108 = tpu.memref_slice %arg3[%add3A_106] : memref<33554432xf32, #tpu.memory_space<hbm>> -> memref<1024xf32, #tpu.memory_space<hbm>>
        %dma_start3A_109 = tpu.memref_slice %arg3[%add3A_106] : memref<33554432xf32, #tpu.memory_space<hbm>> -> memref<1024xf32, #tpu.memory_space<hbm>>
        %dma_start3A_110 = tpu.memref_slice %arg5[%add3A_98] : memref<65536xf32, #tpu.memory_space<vmem>> -> memref<1024xf32, #tpu.memory_space<vmem>>
        tpu.enqueue_dma source(%dma_start3A_110 : memref<1024xf32, #tpu.memory_space<vmem>>) target(%dma_start3A_109 : memref<1024xf32, #tpu.memory_space<hbm>>) target_semaphore(%arg8 : memref<!tpu.dma_semaphore, #tpu.memory_space<semaphore_mem>>)
        %scan3A_111 = arith.constant 0 : i32
        %scan3A_112 = arith.constant 3 : i32
        %scan3A_113 = arith.addi %scan3A_53, %scan3A_112 : i32
        %sub3A_114 = arith.constant 32 : i32
        %sub3A_115 = arith.subi %sub3A_114, %scan3A_113 : i32
        %mul3A_116 = arith.constant 32 : i32
        %mul3A_117 = arith.muli %sub3A_115, %mul3A_116 : i32
        %add3A_118 = arith.addi %mul3A_38, %mul3A_117 : i32
        %mul3A_119 = arith.constant 32 : i32
        %mul3A_120 = arith.muli %scan3A_113, %mul3A_119 : i32
        %mul3A_121 = arith.constant 1024 : i32
        %mul3A_122 = arith.muli %mul3A_120, %mul3A_121 : i32
        %add3A_123 = arith.addi %mul3A_4, %mul3A_122 : i32
        %mul3A_124 = arith.constant 1024 : i32
        %mul3A_125 = arith.muli %scan3A_32, %mul3A_124 : i32
        %add3A_126 = arith.addi %add3A_123, %mul3A_125 : i32
        %dma_start3A_127 = tpu.memref_slice %arg5[%add3A_118] : memref<65536xf32, #tpu.memory_space<vmem>> -> memref<1024xf32, #tpu.memory_space<vmem>>
        %dma_start3A_128 = tpu.memref_slice %arg3[%add3A_126] : memref<33554432xf32, #tpu.memory_space<hbm>> -> memref<1024xf32, #tpu.memory_space<hbm>>
        %dma_start3A_129 = tpu.memref_slice %arg3[%add3A_126] : memref<33554432xf32, #tpu.memory_space<hbm>> -> memref<1024xf32, #tpu.memory_space<hbm>>
        %dma_start3A_130 = tpu.memref_slice %arg5[%add3A_118] : memref<65536xf32, #tpu.memory_space<vmem>> -> memref<1024xf32, #tpu.memory_space<vmem>>
        tpu.enqueue_dma source(%dma_start3A_130 : memref<1024xf32, #tpu.memory_space<vmem>>) target(%dma_start3A_129 : memref<1024xf32, #tpu.memory_space<hbm>>) target_semaphore(%arg8 : memref<!tpu.dma_semaphore, #tpu.memory_space<semaphore_mem>>)
        %scan3A_131 = arith.constant 0 : i32
        scf.yield %scan3A_131 : i32
      }
      %scan3A_52 = arith.constant 16 : i32
      scf.yield %scan3A_51 : i32
    }
    %scan3A_10 = arith.constant 32 : i32
    %scan3A_11 = arith.constant 0 : i32
    %scan3A_12 = arith.constant 0 : i32
    %scan3A_13 = arith.constant 32 : i32
    %scan3A_14 = arith.addi %scan3A_12, %scan3A_13 : i32
    %scan3A_15 = arith.constant 1 : i32
    %scan3A_16 = scf.for %scan3A_32 = %scan3A_12 to %scan3A_14 step %scan3A_15 iter_args(%scan3A_33 = %scan3A_11) -> (i32)  : i32 {
      %ge3A = arith.constant 2 : i32
      %ge3A_34 = arith.cmpi sge, %scan3A_32, %ge3A : i32
      %convert_element_type3A = arith.extui %ge3A_34 : i1 to i32
      %cond3A = arith.constant 0 : i32
      %cond3A_35 = arith.cmpi ne, %convert_element_type3A, %cond3A : i32
      scf.if %cond3A_35 {
        %dma_wait3A = arith.constant 0 : i32
        %dma_wait3A_72 = tpu.memref_slice %arg6[%dma_wait3A] : memref<16384xf32, #tpu.memory_space<vmem>> -> memref<16384xf32, #tpu.memory_space<vmem>>
        %dma_wait3A_73 = tpu.memref_slice %arg3[%mul3A_4] : memref<33554432xf32, #tpu.memory_space<hbm>> -> memref<16384xf32, #tpu.memory_space<hbm>>
        %dma_wait3A_74 = tpu.memref_slice %arg3[%mul3A_4] : memref<33554432xf32, #tpu.memory_space<hbm>> -> memref<16384xf32, #tpu.memory_space<hbm>>
        %dma_wait3A_75 = arith.constant 0 : i32
        %dma_wait3A_76 = tpu.memref_slice %arg6[%dma_wait3A_75] : memref<16384xf32, #tpu.memory_space<vmem>> -> memref<16384xf32, #tpu.memory_space<vmem>>
        tpu.wait_dma2 semaphore(%arg9 : memref<!tpu.dma_semaphore, #tpu.memory_space<semaphore_mem>>) src(%dma_wait3A_76 : memref<16384xf32, #tpu.memory_space<vmem>>) dst(%dma_wait3A_74 : memref<16384xf32, #tpu.memory_space<hbm>>)
      } else {
      }
      %jit3A = arith.constant 2 : i32
      %eq3A = arith.constant 0 : i32
      %eq3A_36 = arith.cmpi eq, %jit3A, %eq3A : i32
      %jit3A_37 = arith.constant 1 : i32
      %select_n3A = arith.select %eq3A_36, %jit3A_37, %jit3A : i32
      %rem3A = arith.remsi %scan3A_32, %select_n3A : i32
      %ne3A = arith.constant 0 : i32
      %ne3A_38 = arith.cmpi ne, %rem3A, %ne3A : i32
      %lt3A = arith.constant 0 : i32
      %lt3A_39 = arith.cmpi slt, %rem3A, %lt3A : i32
      %lt3A_40 = arith.constant 0 : i32
      %lt3A_41 = arith.cmpi slt, %select_n3A, %lt3A_40 : i32
      %ne3A_42 = arith.xori %lt3A_39, %lt3A_41 : i1
      %and3A = arith.andi %ne3A_42, %ne3A_38 : i1
      %add3A_43 = arith.addi %rem3A, %select_n3A : i32
      %select_n3A_44 = arith.select %and3A, %add3A_43, %rem3A : i32
      %eq3A_45 = arith.constant 0 : i32
      %eq3A_46 = arith.cmpi eq, %select_n3A_44, %eq3A_45 : i32
      %convert_element_type3A_47 = arith.extui %eq3A_46 : i1 to i32
      %cond3A_48 = arith.constant 0 : i32
      %cond3A_49 = arith.cmpi ne, %convert_element_type3A_47, %cond3A_48 : i32
      scf.if %cond3A_49 {
        %jit3A_72 = arith.constant 2 : i32
        %div3A = arith.divsi %scan3A_32, %jit3A_72 : i32
        %sign3A = arith.constant 0 : i32
        %sign3A_73 = arith.cmpi sgt, %scan3A_32, %sign3A : i32
        %sign3A_74 = arith.extui %sign3A_73 : i1 to i32
        %sign3A_75 = arith.constant 0 : i32
        %sign3A_76 = arith.cmpi slt, %scan3A_32, %sign3A_75 : i32
        %sign3A_77 = arith.extui %sign3A_76 : i1 to i32
        %sign3A_78 = arith.subi %sign3A_74, %sign3A_77 : i32
        %sign3A_79 = arith.constant 0 : i32
        %sign3A_80 = arith.cmpi sgt, %jit3A_72, %sign3A_79 : i32
        %sign3A_81 = arith.extui %sign3A_80 : i1 to i32
        %sign3A_82 = arith.constant 0 : i32
        %sign3A_83 = arith.cmpi slt, %jit3A_72, %sign3A_82 : i32
        %sign3A_84 = arith.extui %sign3A_83 : i1 to i32
        %sign3A_85 = arith.subi %sign3A_81, %sign3A_84 : i32
        %ne3A_86 = arith.cmpi ne, %sign3A_78, %sign3A_85 : i32
        %rem3A_87 = arith.remsi %scan3A_32, %jit3A_72 : i32
        %ne3A_88 = arith.constant 0 : i32
        %ne3A_89 = arith.cmpi ne, %rem3A_87, %ne3A_88 : i32
        %and3A_90 = arith.andi %ne3A_86, %ne3A_89 : i1
        %sub3A = arith.constant 1 : i32
        %sub3A_91 = arith.subi %div3A, %sub3A : i32
        %select_n3A_92 = arith.select %and3A_90, %sub3A_91, %div3A : i32
        %add3A_93 = arith.constant 16 : i32
        %add3A_94 = arith.addi %add3A_93, %select_n3A_92 : i32
        %jit3A_95 = arith.constant 2 : i32
        %eq3A_96 = arith.constant 0 : i32
        %eq3A_97 = arith.cmpi eq, %jit3A_95, %eq3A_96 : i32
        %jit3A_98 = arith.constant 1 : i32
        %select_n3A_99 = arith.select %eq3A_97, %jit3A_98, %jit3A_95 : i32
        %rem3A_100 = arith.remsi %scan3A_32, %select_n3A_99 : i32
        %ne3A_101 = arith.constant 0 : i32
        %ne3A_102 = arith.cmpi ne, %rem3A_100, %ne3A_101 : i32
        %lt3A_103 = arith.constant 0 : i32
        %lt3A_104 = arith.cmpi slt, %rem3A_100, %lt3A_103 : i32
        %lt3A_105 = arith.constant 0 : i32
        %lt3A_106 = arith.cmpi slt, %select_n3A_99, %lt3A_105 : i32
        %ne3A_107 = arith.xori %lt3A_104, %lt3A_106 : i1
        %and3A_108 = arith.andi %ne3A_107, %ne3A_102 : i1
        %add3A_109 = arith.addi %rem3A_100, %select_n3A_99 : i32
        %select_n3A_110 = arith.select %and3A_108, %add3A_109, %rem3A_100 : i32
        %scan3A_111 = arith.constant 0 : i32
        %scan3A_112 = arith.constant 0 : i32
        %scan3A_113 = arith.constant 16 : i32
        %scan3A_114 = arith.addi %scan3A_112, %scan3A_113 : i32
        %scan3A_115 = arith.constant 1 : i32
        %scan3A_116 = scf.for %scan3A_131 = %scan3A_112 to %scan3A_114 step %scan3A_115 iter_args(%scan3A_132 = %scan3A_111) -> (i32)  : i32 {
          %mul3A_133 = arith.constant 16 : i32
          %mul3A_134 = arith.muli %select_n3A_110, %mul3A_133 : i32
          %add3A_135 = arith.addi %mul3A_134, %scan3A_131 : i32
          %mul3A_136 = arith.constant 2 : i32
          %mul3A_137 = arith.muli %add3A_135, %mul3A_136 : i32
          %mul3A_138 = arith.constant 1024 : i32
          %mul3A_139 = arith.muli %mul3A_137, %mul3A_138 : i32
          %sub3A_140 = arith.constant 32 : i32
          %sub3A_141 = arith.subi %sub3A_140, %add3A_94 : i32
          %mul3A_142 = arith.constant 32 : i32
          %mul3A_143 = arith.muli %sub3A_141, %mul3A_142 : i32
          %add3A_144 = arith.addi %mul3A_139, %mul3A_143 : i32
          %mul3A_145 = arith.constant 1024 : i32
          %mul3A_146 = arith.muli %scan3A_131, %mul3A_145 : i32
          %scan3A_147 = arith.constant 0 : i32
          %scan3A_148 = arith.constant 0 : i32
          %scan3A_149 = arith.constant 64 : i32
          %scan3A_150 = arith.addi %scan3A_148, %scan3A_149 : i32
          %scan3A_151 = arith.constant 16 : i32
          %scan3A_152 = scf.for %scan3A_154 = %scan3A_148 to %scan3A_150 step %scan3A_151 iter_args(%scan3A_155 = %scan3A_147) -> (i32)  : i32 {
            %mul3A_156 = arith.constant 16 : i32
            %mul3A_157 = arith.muli %scan3A_154, %mul3A_156 : i32
            %add3A_158 = arith.addi %add3A_144, %mul3A_157 : i32
            %get3A = arith.index_cast %add3A_158 : i32 to index
            %get3A_159 = tpu.vector_load %arg5[%get3A] {strides = array<i32>} : memref<65536xf32, #tpu.memory_space<vmem>>, vector<16xf32>,
            %get3A_160 = vector.shape_cast %get3A_159 : vector<16xf32> to vector<16xf32>
            %mul3A_161 = arith.constant 16 : i32
            %mul3A_162 = arith.muli %scan3A_154, %mul3A_161 : i32
            %add3A_163 = arith.addi %mul3A_146, %mul3A_162 : i32
            %swap3A = arith.index_cast %add3A_163 : i32 to index
            %swap3A_164 = tpu.vector_load %arg6[%swap3A] {strides = array<i32>} : memref<16384xf32, #tpu.memory_space<vmem>>, vector<16xf32>,
            %swap3A_165 = vector.shape_cast %swap3A_164 : vector<16xf32> to vector<16xf32>
            %swap3A_166 = vector.shape_cast %get3A_160 : vector<16xf32> to vector<16xf32>
            tpu.vector_store %arg6[%swap3A], %swap3A_166 {strides = array<i32>} : memref<16384xf32, #tpu.memory_space<vmem>>, vector<16xf32>,
            %scan3A_167 = arith.constant 0 : i32
            %scan3A_168 = arith.constant 1 : i32
            %scan3A_169 = arith.addi %scan3A_154, %scan3A_168 : i32
            %mul3A_170 = arith.constant 16 : i32
            %mul3A_171 = arith.muli %scan3A_169, %mul3A_170 : i32
            %add3A_172 = arith.addi %add3A_144, %mul3A_171 : i32
            %get3A_173 = arith.index_cast %add3A_172 : i32 to index
            %get3A_174 = tpu.vector_load %arg5[%get3A_173] {strides = array<i32>} : memref<65536xf32, #tpu.memory_space<vmem>>, vector<16xf32>,
            %get3A_175 = vector.shape_cast %get3A_174 : vector<16xf32> to vector<16xf32>
            %mul3A_176 = arith.constant 16 : i32
            %mul3A_177 = arith.muli %scan3A_169, %mul3A_176 : i32
            %add3A_178 = arith.addi %mul3A_146, %mul3A_177 : i32
            %swap3A_179 = arith.index_cast %add3A_178 : i32 to index
            %swap3A_180 = tpu.vector_load %arg6[%swap3A_179] {strides = array<i32>} : memref<16384xf32, #tpu.memory_space<vmem>>, vector<16xf32>,
            %swap3A_181 = vector.shape_cast %swap3A_180 : vector<16xf32> to vector<16xf32>
            %swap3A_182 = vector.shape_cast %get3A_175 : vector<16xf32> to vector<16xf32>
            tpu.vector_store %arg6[%swap3A_179], %swap3A_182 {strides = array<i32>} : memref<16384xf32, #tpu.memory_space<vmem>>, vector<16xf32>,
            %scan3A_183 = arith.constant 0 : i32
            %scan3A_184 = arith.constant 2 : i32
            %scan3A_185 = arith.addi %scan3A_154, %scan3A_184 : i32
            %mul3A_186 = arith.constant 16 : i32
            %mul3A_187 = arith.muli %scan3A_185, %mul3A_186 : i32
            %add3A_188 = arith.addi %add3A_144, %mul3A_187 : i32
            %get3A_189 = arith.index_cast %add3A_188 : i32 to index
            %get3A_190 = tpu.vector_load %arg5[%get3A_189] {strides = array<i32>} : memref<65536xf32, #tpu.memory_space<vmem>>, vector<16xf32>,
            %get3A_191 = vector.shape_cast %get3A_190 : vector<16xf32> to vector<16xf32>
            %mul3A_192 = arith.constant 16 : i32
            %mul3A_193 = arith.muli %scan3A_185, %mul3A_192 : i32
            %add3A_194 = arith.addi %mul3A_146, %mul3A_193 : i32
            %swap3A_195 = arith.index_cast %add3A_194 : i32 to index
            %swap3A_196 = tpu.vector_load %arg6[%swap3A_195] {strides = array<i32>} : memref<16384xf32, #tpu.memory_space<vmem>>, vector<16xf32>,
            %swap3A_197 = vector.shape_cast %swap3A_196 : vector<16xf32> to vector<16xf32>
            %swap3A_198 = vector.shape_cast %get3A_191 : vector<16xf32> to vector<16xf32>
            tpu.vector_store %arg6[%swap3A_195], %swap3A_198 {strides = array<i32>} : memref<16384xf32, #tpu.memory_space<vmem>>, vector<16xf32>,
            %scan3A_199 = arith.constant 0 : i32
            %scan3A_200 = arith.constant 3 : i32
            %scan3A_201 = arith.addi %scan3A_154, %scan3A_200 : i32
            %mul3A_202 = arith.constant 16 : i32
            %mul3A_203 = arith.muli %scan3A_201, %mul3A_202 : i32
            %add3A_204 = arith.addi %add3A_144, %mul3A_203 : i32
            %get3A_205 = arith.index_cast %add3A_204 : i32 to index
            %get3A_206 = tpu.vector_load %arg5[%get3A_205] {strides = array<i32>} : memref<65536xf32, #tpu.memory_space<vmem>>, vector<16xf32>,
            %get3A_207 = vector.shape_cast %get3A_206 : vector<16xf32> to vector<16xf32>
            %mul3A_208 = arith.constant 16 : i32
            %mul3A_209 = arith.muli %scan3A_201, %mul3A_208 : i32
            %add3A_210 = arith.addi %mul3A_146, %mul3A_209 : i32
            %swap3A_211 = arith.index_cast %add3A_210 : i32 to index
            %swap3A_212 = tpu.vector_load %arg6[%swap3A_211] {strides = array<i32>} : memref<16384xf32, #tpu.memory_space<vmem>>, vector<16xf32>,
            %swap3A_213 = vector.shape_cast %swap3A_212 : vector<16xf32> to vector<16xf32>
            %swap3A_214 = vector.shape_cast %get3A_207 : vector<16xf32> to vector<16xf32>
            tpu.vector_store %arg6[%swap3A_211], %swap3A_214 {strides = array<i32>} : memref<16384xf32, #tpu.memory_space<vmem>>, vector<16xf32>,
            %scan3A_215 = arith.constant 0 : i32
            %scan3A_216 = arith.constant 4 : i32
            %scan3A_217 = arith.addi %scan3A_154, %scan3A_216 : i32
            %mul3A_218 = arith.constant 16 : i32
            %mul3A_219 = arith.muli %scan3A_217, %mul3A_218 : i32
            %add3A_220 = arith.addi %add3A_144, %mul3A_219 : i32
            %get3A_221 = arith.index_cast %add3A_220 : i32 to index
            %get3A_222 = tpu.vector_load %arg5[%get3A_221] {strides = array<i32>} : memref<65536xf32, #tpu.memory_space<vmem>>, vector<16xf32>,
            %get3A_223 = vector.shape_cast %get3A_222 : vector<16xf32> to vector<16xf32>
            %mul3A_224 = arith.constant 16 : i32
            %mul3A_225 = arith.muli %scan3A_217, %mul3A_224 : i32
            %add3A_226 = arith.addi %mul3A_146, %mul3A_225 : i32
            %swap3A_227 = arith.index_cast %add3A_226 : i32 to index
            %swap3A_228 = tpu.vector_load %arg6[%swap3A_227] {strides = array<i32>} : memref<16384xf32, #tpu.memory_space<vmem>>, vector<16xf32>,
            %swap3A_229 = vector.shape_cast %swap3A_228 : vector<16xf32> to vector<16xf32>
            %swap3A_230 = vector.shape_cast %get3A_223 : vector<16xf32> to vector<16xf32>
            tpu.vector_store %arg6[%swap3A_227], %swap3A_230 {strides = array<i32>} : memref<16384xf32, #tpu.memory_space<vmem>>, vector<16xf32>,
            %scan3A_231 = arith.constant 0 : i32
            %scan3A_232 = arith.constant 5 : i32
            %scan3A_233 = arith.addi %scan3A_154, %scan3A_232 : i32
            %mul3A_234 = arith.constant 16 : i32
            %mul3A_235 = arith.muli %scan3A_233, %mul3A_234 : i32
            %add3A_236 = arith.addi %add3A_144, %mul3A_235 : i32
            %get3A_237 = arith.index_cast %add3A_236 : i32 to index
            %get3A_238 = tpu.vector_load %arg5[%get3A_237] {strides = array<i32>} : memref<65536xf32, #tpu.memory_space<vmem>>, vector<16xf32>,
            %get3A_239 = vector.shape_cast %get3A_238 : vector<16xf32> to vector<16xf32>
            %mul3A_240 = arith.constant 16 : i32
            %mul3A_241 = arith.muli %scan3A_233, %mul3A_240 : i32
            %add3A_242 = arith.addi %mul3A_146, %mul3A_241 : i32
            %swap3A_243 = arith.index_cast %add3A_242 : i32 to index
            %swap3A_244 = tpu.vector_load %arg6[%swap3A_243] {strides = array<i32>} : memref<16384xf32, #tpu.memory_space<vmem>>, vector<16xf32>,
            %swap3A_245 = vector.shape_cast %swap3A_244 : vector<16xf32> to vector<16xf32>
            %swap3A_246 = vector.shape_cast %get3A_239 : vector<16xf32> to vector<16xf32>
            tpu.vector_store %arg6[%swap3A_243], %swap3A_246 {strides = array<i32>} : memref<16384xf32, #tpu.memory_space<vmem>>, vector<16xf32>,
            %scan3A_247 = arith.constant 0 : i32
            %scan3A_248 = arith.constant 6 : i32
            %scan3A_249 = arith.addi %scan3A_154, %scan3A_248 : i32
            %mul3A_250 = arith.constant 16 : i32
            %mul3A_251 = arith.muli %scan3A_249, %mul3A_250 : i32
            %add3A_252 = arith.addi %add3A_144, %mul3A_251 : i32
            %get3A_253 = arith.index_cast %add3A_252 : i32 to index
            %get3A_254 = tpu.vector_load %arg5[%get3A_253] {strides = array<i32>} : memref<65536xf32, #tpu.memory_space<vmem>>, vector<16xf32>,
            %get3A_255 = vector.shape_cast %get3A_254 : vector<16xf32> to vector<16xf32>
            %mul3A_256 = arith.constant 16 : i32
            %mul3A_257 = arith.muli %scan3A_249, %mul3A_256 : i32
            %add3A_258 = arith.addi %mul3A_146, %mul3A_257 : i32
            %swap3A_259 = arith.index_cast %add3A_258 : i32 to index
            %swap3A_260 = tpu.vector_load %arg6[%swap3A_259] {strides = array<i32>} : memref<16384xf32, #tpu.memory_space<vmem>>, vector<16xf32>,
            %swap3A_261 = vector.shape_cast %swap3A_260 : vector<16xf32> to vector<16xf32>
            %swap3A_262 = vector.shape_cast %get3A_255 : vector<16xf32> to vector<16xf32>
            tpu.vector_store %arg6[%swap3A_259], %swap3A_262 {strides = array<i32>} : memref<16384xf32, #tpu.memory_space<vmem>>, vector<16xf32>,
            %scan3A_263 = arith.constant 0 : i32
            %scan3A_264 = arith.constant 7 : i32
            %scan3A_265 = arith.addi %scan3A_154, %scan3A_264 : i32
            %mul3A_266 = arith.constant 16 : i32
            %mul3A_267 = arith.muli %scan3A_265, %mul3A_266 : i32
            %add3A_268 = arith.addi %add3A_144, %mul3A_267 : i32
            %get3A_269 = arith.index_cast %add3A_268 : i32 to index
            %get3A_270 = tpu.vector_load %arg5[%get3A_269] {strides = array<i32>} : memref<65536xf32, #tpu.memory_space<vmem>>, vector<16xf32>,
            %get3A_271 = vector.shape_cast %get3A_270 : vector<16xf32> to vector<16xf32>
            %mul3A_272 = arith.constant 16 : i32
            %mul3A_273 = arith.muli %scan3A_265, %mul3A_272 : i32
            %add3A_274 = arith.addi %mul3A_146, %mul3A_273 : i32
            %swap3A_275 = arith.index_cast %add3A_274 : i32 to index
            %swap3A_276 = tpu.vector_load %arg6[%swap3A_275] {strides = array<i32>} : memref<16384xf32, #tpu.memory_space<vmem>>, vector<16xf32>,
            %swap3A_277 = vector.shape_cast %swap3A_276 : vector<16xf32> to vector<16xf32>
            %swap3A_278 = vector.shape_cast %get3A_271 : vector<16xf32> to vector<16xf32>
            tpu.vector_store %arg6[%swap3A_275], %swap3A_278 {strides = array<i32>} : memref<16384xf32, #tpu.memory_space<vmem>>, vector<16xf32>,
            %scan3A_279 = arith.constant 0 : i32
            %scan3A_280 = arith.constant 8 : i32
            %scan3A_281 = arith.addi %scan3A_154, %scan3A_280 : i32
            %mul3A_282 = arith.constant 16 : i32
            %mul3A_283 = arith.muli %scan3A_281, %mul3A_282 : i32
            %add3A_284 = arith.addi %add3A_144, %mul3A_283 : i32
            %get3A_285 = arith.index_cast %add3A_284 : i32 to index
            %get3A_286 = tpu.vector_load %arg5[%get3A_285] {strides = array<i32>} : memref<65536xf32, #tpu.memory_space<vmem>>, vector<16xf32>,
            %get3A_287 = vector.shape_cast %get3A_286 : vector<16xf32> to vector<16xf32>
            %mul3A_288 = arith.constant 16 : i32
            %mul3A_289 = arith.muli %scan3A_281, %mul3A_288 : i32
            %add3A_290 = arith.addi %mul3A_146, %mul3A_289 : i32
            %swap3A_291 = arith.index_cast %add3A_290 : i32 to index
            %swap3A_292 = tpu.vector_load %arg6[%swap3A_291] {strides = array<i32>} : memref<16384xf32, #tpu.memory_space<vmem>>, vector<16xf32>,
            %swap3A_293 = vector.shape_cast %swap3A_292 : vector<16xf32> to vector<16xf32>
            %swap3A_294 = vector.shape_cast %get3A_287 : vector<16xf32> to vector<16xf32>
            tpu.vector_store %arg6[%swap3A_291], %swap3A_294 {strides = array<i32>} : memref<16384xf32, #tpu.memory_space<vmem>>, vector<16xf32>,
            %scan3A_295 = arith.constant 0 : i32
            %scan3A_296 = arith.constant 9 : i32
            %scan3A_297 = arith.addi %scan3A_154, %scan3A_296 : i32
            %mul3A_298 = arith.constant 16 : i32
            %mul3A_299 = arith.muli %scan3A_297, %mul3A_298 : i32
            %add3A_300 = arith.addi %add3A_144, %mul3A_299 : i32
            %get3A_301 = arith.index_cast %add3A_300 : i32 to index
            %get3A_302 = tpu.vector_load %arg5[%get3A_301] {strides = array<i32>} : memref<65536xf32, #tpu.memory_space<vmem>>, vector<16xf32>,
            %get3A_303 = vector.shape_cast %get3A_302 : vector<16xf32> to vector<16xf32>
            %mul3A_304 = arith.constant 16 : i32
            %mul3A_305 = arith.muli %scan3A_297, %mul3A_304 : i32
            %add3A_306 = arith.addi %mul3A_146, %mul3A_305 : i32
            %swap3A_307 = arith.index_cast %add3A_306 : i32 to index
            %swap3A_308 = tpu.vector_load %arg6[%swap3A_307] {strides = array<i32>} : memref<16384xf32, #tpu.memory_space<vmem>>, vector<16xf32>,
            %swap3A_309 = vector.shape_cast %swap3A_308 : vector<16xf32> to vector<16xf32>
            %swap3A_310 = vector.shape_cast %get3A_303 : vector<16xf32> to vector<16xf32>
            tpu.vector_store %arg6[%swap3A_307], %swap3A_310 {strides = array<i32>} : memref<16384xf32, #tpu.memory_space<vmem>>, vector<16xf32>,
            %scan3A_311 = arith.constant 0 : i32
            %scan3A_312 = arith.constant 10 : i32
            %scan3A_313 = arith.addi %scan3A_154, %scan3A_312 : i32
            %mul3A_314 = arith.constant 16 : i32
            %mul3A_315 = arith.muli %scan3A_313, %mul3A_314 : i32
            %add3A_316 = arith.addi %add3A_144, %mul3A_315 : i32
            %get3A_317 = arith.index_cast %add3A_316 : i32 to index
            %get3A_318 = tpu.vector_load %arg5[%get3A_317] {strides = array<i32>} : memref<65536xf32, #tpu.memory_space<vmem>>, vector<16xf32>,
            %get3A_319 = vector.shape_cast %get3A_318 : vector<16xf32> to vector<16xf32>
            %mul3A_320 = arith.constant 16 : i32
            %mul3A_321 = arith.muli %scan3A_313, %mul3A_320 : i32
            %add3A_322 = arith.addi %mul3A_146, %mul3A_321 : i32
            %swap3A_323 = arith.index_cast %add3A_322 : i32 to index
            %swap3A_324 = tpu.vector_load %arg6[%swap3A_323] {strides = array<i32>} : memref<16384xf32, #tpu.memory_space<vmem>>, vector<16xf32>,
            %swap3A_325 = vector.shape_cast %swap3A_324 : vector<16xf32> to vector<16xf32>
            %swap3A_326 = vector.shape_cast %get3A_319 : vector<16xf32> to vector<16xf32>
            tpu.vector_store %arg6[%swap3A_323], %swap3A_326 {strides = array<i32>} : memref<16384xf32, #tpu.memory_space<vmem>>, vector<16xf32>,
            %scan3A_327 = arith.constant 0 : i32
            %scan3A_328 = arith.constant 11 : i32
            %scan3A_329 = arith.addi %scan3A_154, %scan3A_328 : i32
            %mul3A_330 = arith.constant 16 : i32
            %mul3A_331 = arith.muli %scan3A_329, %mul3A_330 : i32
            %add3A_332 = arith.addi %add3A_144, %mul3A_331 : i32
            %get3A_333 = arith.index_cast %add3A_332 : i32 to index
            %get3A_334 = tpu.vector_load %arg5[%get3A_333] {strides = array<i32>} : memref<65536xf32, #tpu.memory_space<vmem>>, vector<16xf32>,
            %get3A_335 = vector.shape_cast %get3A_334 : vector<16xf32> to vector<16xf32>
            %mul3A_336 = arith.constant 16 : i32
            %mul3A_337 = arith.muli %scan3A_329, %mul3A_336 : i32
            %add3A_338 = arith.addi %mul3A_146, %mul3A_337 : i32
            %swap3A_339 = arith.index_cast %add3A_338 : i32 to index
            %swap3A_340 = tpu.vector_load %arg6[%swap3A_339] {strides = array<i32>} : memref<16384xf32, #tpu.memory_space<vmem>>, vector<16xf32>,
            %swap3A_341 = vector.shape_cast %swap3A_340 : vector<16xf32> to vector<16xf32>
            %swap3A_342 = vector.shape_cast %get3A_335 : vector<16xf32> to vector<16xf32>
            tpu.vector_store %arg6[%swap3A_339], %swap3A_342 {strides = array<i32>} : memref<16384xf32, #tpu.memory_space<vmem>>, vector<16xf32>,
            %scan3A_343 = arith.constant 0 : i32
            %scan3A_344 = arith.constant 12 : i32
            %scan3A_345 = arith.addi %scan3A_154, %scan3A_344 : i32
            %mul3A_346 = arith.constant 16 : i32
            %mul3A_347 = arith.muli %scan3A_345, %mul3A_346 : i32
            %add3A_348 = arith.addi %add3A_144, %mul3A_347 : i32
            %get3A_349 = arith.index_cast %add3A_348 : i32 to index
            %get3A_350 = tpu.vector_load %arg5[%get3A_349] {strides = array<i32>} : memref<65536xf32, #tpu.memory_space<vmem>>, vector<16xf32>,
            %get3A_351 = vector.shape_cast %get3A_350 : vector<16xf32> to vector<16xf32>
            %mul3A_352 = arith.constant 16 : i32
            %mul3A_353 = arith.muli %scan3A_345, %mul3A_352 : i32
            %add3A_354 = arith.addi %mul3A_146, %mul3A_353 : i32
            %swap3A_355 = arith.index_cast %add3A_354 : i32 to index
            %swap3A_356 = tpu.vector_load %arg6[%swap3A_355] {strides = array<i32>} : memref<16384xf32, #tpu.memory_space<vmem>>, vector<16xf32>,
            %swap3A_357 = vector.shape_cast %swap3A_356 : vector<16xf32> to vector<16xf32>
            %swap3A_358 = vector.shape_cast %get3A_351 : vector<16xf32> to vector<16xf32>
            tpu.vector_store %arg6[%swap3A_355], %swap3A_358 {strides = array<i32>} : memref<16384xf32, #tpu.memory_space<vmem>>, vector<16xf32>,
            %scan3A_359 = arith.constant 0 : i32
            %scan3A_360 = arith.constant 13 : i32
            %scan3A_361 = arith.addi %scan3A_154, %scan3A_360 : i32
            %mul3A_362 = arith.constant 16 : i32
            %mul3A_363 = arith.muli %scan3A_361, %mul3A_362 : i32
            %add3A_364 = arith.addi %add3A_144, %mul3A_363 : i32
            %get3A_365 = arith.index_cast %add3A_364 : i32 to index
            %get3A_366 = tpu.vector_load %arg5[%get3A_365] {strides = array<i32>} : memref<65536xf32, #tpu.memory_space<vmem>>, vector<16xf32>,
            %get3A_367 = vector.shape_cast %get3A_366 : vector<16xf32> to vector<16xf32>
            %mul3A_368 = arith.constant 16 : i32
            %mul3A_369 = arith.muli %scan3A_361, %mul3A_368 : i32
            %add3A_370 = arith.addi %mul3A_146, %mul3A_369 : i32
            %swap3A_371 = arith.index_cast %add3A_370 : i32 to index
            %swap3A_372 = tpu.vector_load %arg6[%swap3A_371] {strides = array<i32>} : memref<16384xf32, #tpu.memory_space<vmem>>, vector<16xf32>,
            %swap3A_373 = vector.shape_cast %swap3A_372 : vector<16xf32> to vector<16xf32>
            %swap3A_374 = vector.shape_cast %get3A_367 : vector<16xf32> to vector<16xf32>
            tpu.vector_store %arg6[%swap3A_371], %swap3A_374 {strides = array<i32>} : memref<16384xf32, #tpu.memory_space<vmem>>, vector<16xf32>,
            %scan3A_375 = arith.constant 0 : i32
            %scan3A_376 = arith.constant 14 : i32
            %scan3A_377 = arith.addi %scan3A_154, %scan3A_376 : i32
            %mul3A_378 = arith.constant 16 : i32
            %mul3A_379 = arith.muli %scan3A_377, %mul3A_378 : i32
            %add3A_380 = arith.addi %add3A_144, %mul3A_379 : i32
            %get3A_381 = arith.index_cast %add3A_380 : i32 to index
            %get3A_382 = tpu.vector_load %arg5[%get3A_381] {strides = array<i32>} : memref<65536xf32, #tpu.memory_space<vmem>>, vector<16xf32>,
            %get3A_383 = vector.shape_cast %get3A_382 : vector<16xf32> to vector<16xf32>
            %mul3A_384 = arith.constant 16 : i32
            %mul3A_385 = arith.muli %scan3A_377, %mul3A_384 : i32
            %add3A_386 = arith.addi %mul3A_146, %mul3A_385 : i32
            %swap3A_387 = arith.index_cast %add3A_386 : i32 to index
            %swap3A_388 = tpu.vector_load %arg6[%swap3A_387] {strides = array<i32>} : memref<16384xf32, #tpu.memory_space<vmem>>, vector<16xf32>,
            %swap3A_389 = vector.shape_cast %swap3A_388 : vector<16xf32> to vector<16xf32>
            %swap3A_390 = vector.shape_cast %get3A_383 : vector<16xf32> to vector<16xf32>
            tpu.vector_store %arg6[%swap3A_387], %swap3A_390 {strides = array<i32>} : memref<16384xf32, #tpu.memory_space<vmem>>, vector<16xf32>,
            %scan3A_391 = arith.constant 0 : i32
            %scan3A_392 = arith.constant 15 : i32
            %scan3A_393 = arith.addi %scan3A_154, %scan3A_392 : i32
            %mul3A_394 = arith.constant 16 : i32
            %mul3A_395 = arith.muli %scan3A_393, %mul3A_394 : i32
            %add3A_396 = arith.addi %add3A_144, %mul3A_395 : i32
            %get3A_397 = arith.index_cast %add3A_396 : i32 to index
            %get3A_398 = tpu.vector_load %arg5[%get3A_397] {strides = array<i32>} : memref<65536xf32, #tpu.memory_space<vmem>>, vector<16xf32>,
            %get3A_399 = vector.shape_cast %get3A_398 : vector<16xf32> to vector<16xf32>
            %mul3A_400 = arith.constant 16 : i32
            %mul3A_401 = arith.muli %scan3A_393, %mul3A_400 : i32
            %add3A_402 = arith.addi %mul3A_146, %mul3A_401 : i32
            %swap3A_403 = arith.index_cast %add3A_402 : i32 to index
            %swap3A_404 = tpu.vector_load %arg6[%swap3A_403] {strides = array<i32>} : memref<16384xf32, #tpu.memory_space<vmem>>, vector<16xf32>,
            %swap3A_405 = vector.shape_cast %swap3A_404 : vector<16xf32> to vector<16xf32>
            %swap3A_406 = vector.shape_cast %get3A_399 : vector<16xf32> to vector<16xf32>
            tpu.vector_store %arg6[%swap3A_403], %swap3A_406 {strides = array<i32>} : memref<16384xf32, #tpu.memory_space<vmem>>, vector<16xf32>,
            %scan3A_407 = arith.constant 0 : i32
            scf.yield %scan3A_407 : i32
          }
          %scan3A_153 = arith.constant 64 : i32
          scf.yield %scan3A_152 : i32
        }
        %scan3A_117 = arith.constant 16 : i32
        %mul3A_118 = arith.constant 32 : i32
        %mul3A_119 = arith.muli %add3A_94, %mul3A_118 : i32
        %mul3A_120 = arith.constant 1024 : i32
        %mul3A_121 = arith.muli %mul3A_119, %mul3A_120 : i32
        %add3A_122 = arith.addi %mul3A_4, %mul3A_121 : i32
        %mul3A_123 = arith.constant 16384 : i32
        %mul3A_124 = arith.muli %select_n3A_110, %mul3A_123 : i32
        %add3A_125 = arith.addi %add3A_122, %mul3A_124 : i32
        %dma_start3A = arith.constant 0 : i32
        %dma_start3A_126 = tpu.memref_slice %arg6[%dma_start3A] : memref<16384xf32, #tpu.memory_space<vmem>> -> memref<16384xf32, #tpu.memory_space<vmem>>
        %dma_start3A_127 = tpu.memref_slice %arg3[%add3A_125] : memref<33554432xf32, #tpu.memory_space<hbm>> -> memref<16384xf32, #tpu.memory_space<hbm>>
        %dma_start3A_128 = tpu.memref_slice %arg3[%add3A_125] : memref<33554432xf32, #tpu.memory_space<hbm>> -> memref<16384xf32, #tpu.memory_space<hbm>>
        %dma_start3A_129 = arith.constant 0 : i32
        %dma_start3A_130 = tpu.memref_slice %arg6[%dma_start3A_129] : memref<16384xf32, #tpu.memory_space<vmem>> -> memref<16384xf32, #tpu.memory_space<vmem>>
        tpu.enqueue_dma source(%dma_start3A_130 : memref<16384xf32, #tpu.memory_space<vmem>>) target(%dma_start3A_128 : memref<16384xf32, #tpu.memory_space<hbm>>) target_semaphore(%arg9 : memref<!tpu.dma_semaphore, #tpu.memory_space<semaphore_mem>>)
      } else {
      }
      %jit3A_50 = arith.constant 2 : i32
      %eq3A_51 = arith.constant 0 : i32
      %eq3A_52 = arith.cmpi eq, %jit3A_50, %eq3A_51 : i32
      %jit3A_53 = arith.constant 1 : i32
      %select_n3A_54 = arith.select %eq3A_52, %jit3A_53, %jit3A_50 : i32
      %rem3A_55 = arith.remsi %scan3A_32, %select_n3A_54 : i32
      %ne3A_56 = arith.constant 0 : i32
      %ne3A_57 = arith.cmpi ne, %rem3A_55, %ne3A_56 : i32
      %lt3A_58 = arith.constant 0 : i32
      %lt3A_59 = arith.cmpi slt, %rem3A_55, %lt3A_58 : i32
      %lt3A_60 = arith.constant 0 : i32
      %lt3A_61 = arith.cmpi slt, %select_n3A_54, %lt3A_60 : i32
      %ne3A_62 = arith.xori %lt3A_59, %lt3A_61 : i1
      %and3A_63 = arith.andi %ne3A_62, %ne3A_57 : i1
      %add3A_64 = arith.addi %rem3A_55, %select_n3A_54 : i32
      %select_n3A_65 = arith.select %and3A_63, %add3A_64, %rem3A_55 : i32
      %eq3A_66 = arith.constant 1 : i32
      %eq3A_67 = arith.cmpi eq, %select_n3A_65, %eq3A_66 : i32
      %convert_element_type3A_68 = arith.extui %eq3A_67 : i1 to i32
      %cond3A_69 = arith.constant 0 : i32
      %cond3A_70 = arith.cmpi ne, %convert_element_type3A_68, %cond3A_69 : i32
      scf.if %cond3A_70 {
        %jit3A_72 = arith.constant 2 : i32
        %div3A = arith.divsi %scan3A_32, %jit3A_72 : i32
        %sign3A = arith.constant 0 : i32
        %sign3A_73 = arith.cmpi sgt, %scan3A_32, %sign3A : i32
        %sign3A_74 = arith.extui %sign3A_73 : i1 to i32
        %sign3A_75 = arith.constant 0 : i32
        %sign3A_76 = arith.cmpi slt, %scan3A_32, %sign3A_75 : i32
        %sign3A_77 = arith.extui %sign3A_76 : i1 to i32
        %sign3A_78 = arith.subi %sign3A_74, %sign3A_77 : i32
        %sign3A_79 = arith.constant 0 : i32
        %sign3A_80 = arith.cmpi sgt, %jit3A_72, %sign3A_79 : i32
        %sign3A_81 = arith.extui %sign3A_80 : i1 to i32
        %sign3A_82 = arith.constant 0 : i32
        %sign3A_83 = arith.cmpi slt, %jit3A_72, %sign3A_82 : i32
        %sign3A_84 = arith.extui %sign3A_83 : i1 to i32
        %sign3A_85 = arith.subi %sign3A_81, %sign3A_84 : i32
        %ne3A_86 = arith.cmpi ne, %sign3A_78, %sign3A_85 : i32
        %rem3A_87 = arith.remsi %scan3A_32, %jit3A_72 : i32
        %ne3A_88 = arith.constant 0 : i32
        %ne3A_89 = arith.cmpi ne, %rem3A_87, %ne3A_88 : i32
        %and3A_90 = arith.andi %ne3A_86, %ne3A_89 : i1
        %sub3A = arith.constant 1 : i32
        %sub3A_91 = arith.subi %div3A, %sub3A : i32
        %select_n3A_92 = arith.select %and3A_90, %sub3A_91, %div3A : i32
        %add3A_93 = arith.constant 16 : i32
        %add3A_94 = arith.addi %add3A_93, %select_n3A_92 : i32
        %jit3A_95 = arith.constant 2 : i32
        %eq3A_96 = arith.constant 0 : i32
        %eq3A_97 = arith.cmpi eq, %jit3A_95, %eq3A_96 : i32
        %jit3A_98 = arith.constant 1 : i32
        %select_n3A_99 = arith.select %eq3A_97, %jit3A_98, %jit3A_95 : i32
        %rem3A_100 = arith.remsi %scan3A_32, %select_n3A_99 : i32
        %ne3A_101 = arith.constant 0 : i32
        %ne3A_102 = arith.cmpi ne, %rem3A_100, %ne3A_101 : i32
        %lt3A_103 = arith.constant 0 : i32
        %lt3A_104 = arith.cmpi slt, %rem3A_100, %lt3A_103 : i32
        %lt3A_105 = arith.constant 0 : i32
        %lt3A_106 = arith.cmpi slt, %select_n3A_99, %lt3A_105 : i32
        %ne3A_107 = arith.xori %lt3A_104, %lt3A_106 : i1
        %and3A_108 = arith.andi %ne3A_107, %ne3A_102 : i1
        %add3A_109 = arith.addi %rem3A_100, %select_n3A_99 : i32
        %select_n3A_110 = arith.select %and3A_108, %add3A_109, %rem3A_100 : i32
        %scan3A_111 = arith.constant 0 : i32
        %scan3A_112 = arith.constant 0 : i32
        %scan3A_113 = arith.constant 16 : i32
        %scan3A_114 = arith.addi %scan3A_112, %scan3A_113 : i32
        %scan3A_115 = arith.constant 1 : i32
        %scan3A_116 = scf.for %scan3A_131 = %scan3A_112 to %scan3A_114 step %scan3A_115 iter_args(%scan3A_132 = %scan3A_111) -> (i32)  : i32 {
          %mul3A_133 = arith.constant 16 : i32
          %mul3A_134 = arith.muli %select_n3A_110, %mul3A_133 : i32
          %add3A_135 = arith.addi %mul3A_134, %scan3A_131 : i32
          %mul3A_136 = arith.constant 2 : i32
          %mul3A_137 = arith.muli %add3A_135, %mul3A_136 : i32
          %mul3A_138 = arith.constant 1024 : i32
          %mul3A_139 = arith.muli %mul3A_137, %mul3A_138 : i32
          %sub3A_140 = arith.constant 32 : i32
          %sub3A_141 = arith.subi %sub3A_140, %add3A_94 : i32
          %mul3A_142 = arith.constant 32 : i32
          %mul3A_143 = arith.muli %sub3A_141, %mul3A_142 : i32
          %add3A_144 = arith.addi %mul3A_139, %mul3A_143 : i32
          %mul3A_145 = arith.constant 1024 : i32
          %mul3A_146 = arith.muli %scan3A_131, %mul3A_145 : i32
          %scan3A_147 = arith.constant 0 : i32
          %scan3A_148 = arith.constant 0 : i32
          %scan3A_149 = arith.constant 64 : i32
          %scan3A_150 = arith.addi %scan3A_148, %scan3A_149 : i32
          %scan3A_151 = arith.constant 16 : i32
          %scan3A_152 = scf.for %scan3A_154 = %scan3A_148 to %scan3A_150 step %scan3A_151 iter_args(%scan3A_155 = %scan3A_147) -> (i32)  : i32 {
            %mul3A_156 = arith.constant 16 : i32
            %mul3A_157 = arith.muli %scan3A_154, %mul3A_156 : i32
            %add3A_158 = arith.addi %add3A_144, %mul3A_157 : i32
            %get3A = arith.index_cast %add3A_158 : i32 to index
            %get3A_159 = tpu.vector_load %arg5[%get3A] {strides = array<i32>} : memref<65536xf32, #tpu.memory_space<vmem>>, vector<16xf32>,
            %get3A_160 = vector.shape_cast %get3A_159 : vector<16xf32> to vector<16xf32>
            %mul3A_161 = arith.constant 16 : i32
            %mul3A_162 = arith.muli %scan3A_154, %mul3A_161 : i32
            %add3A_163 = arith.addi %mul3A_146, %mul3A_162 : i32
            %swap3A = arith.index_cast %add3A_163 : i32 to index
            %swap3A_164 = tpu.vector_load %arg7[%swap3A] {strides = array<i32>} : memref<16384xf32, #tpu.memory_space<vmem>>, vector<16xf32>,
            %swap3A_165 = vector.shape_cast %swap3A_164 : vector<16xf32> to vector<16xf32>
            %swap3A_166 = vector.shape_cast %get3A_160 : vector<16xf32> to vector<16xf32>
            tpu.vector_store %arg7[%swap3A], %swap3A_166 {strides = array<i32>} : memref<16384xf32, #tpu.memory_space<vmem>>, vector<16xf32>,
            %scan3A_167 = arith.constant 0 : i32
            %scan3A_168 = arith.constant 1 : i32
            %scan3A_169 = arith.addi %scan3A_154, %scan3A_168 : i32
            %mul3A_170 = arith.constant 16 : i32
            %mul3A_171 = arith.muli %scan3A_169, %mul3A_170 : i32
            %add3A_172 = arith.addi %add3A_144, %mul3A_171 : i32
            %get3A_173 = arith.index_cast %add3A_172 : i32 to index
            %get3A_174 = tpu.vector_load %arg5[%get3A_173] {strides = array<i32>} : memref<65536xf32, #tpu.memory_space<vmem>>, vector<16xf32>,
            %get3A_175 = vector.shape_cast %get3A_174 : vector<16xf32> to vector<16xf32>
            %mul3A_176 = arith.constant 16 : i32
            %mul3A_177 = arith.muli %scan3A_169, %mul3A_176 : i32
            %add3A_178 = arith.addi %mul3A_146, %mul3A_177 : i32
            %swap3A_179 = arith.index_cast %add3A_178 : i32 to index
            %swap3A_180 = tpu.vector_load %arg7[%swap3A_179] {strides = array<i32>} : memref<16384xf32, #tpu.memory_space<vmem>>, vector<16xf32>,
            %swap3A_181 = vector.shape_cast %swap3A_180 : vector<16xf32> to vector<16xf32>
            %swap3A_182 = vector.shape_cast %get3A_175 : vector<16xf32> to vector<16xf32>
            tpu.vector_store %arg7[%swap3A_179], %swap3A_182 {strides = array<i32>} : memref<16384xf32, #tpu.memory_space<vmem>>, vector<16xf32>,
            %scan3A_183 = arith.constant 0 : i32
            %scan3A_184 = arith.constant 2 : i32
            %scan3A_185 = arith.addi %scan3A_154, %scan3A_184 : i32
            %mul3A_186 = arith.constant 16 : i32
            %mul3A_187 = arith.muli %scan3A_185, %mul3A_186 : i32
            %add3A_188 = arith.addi %add3A_144, %mul3A_187 : i32
            %get3A_189 = arith.index_cast %add3A_188 : i32 to index
            %get3A_190 = tpu.vector_load %arg5[%get3A_189] {strides = array<i32>} : memref<65536xf32, #tpu.memory_space<vmem>>, vector<16xf32>,
            %get3A_191 = vector.shape_cast %get3A_190 : vector<16xf32> to vector<16xf32>
            %mul3A_192 = arith.constant 16 : i32
            %mul3A_193 = arith.muli %scan3A_185, %mul3A_192 : i32
            %add3A_194 = arith.addi %mul3A_146, %mul3A_193 : i32
            %swap3A_195 = arith.index_cast %add3A_194 : i32 to index
            %swap3A_196 = tpu.vector_load %arg7[%swap3A_195] {strides = array<i32>} : memref<16384xf32, #tpu.memory_space<vmem>>, vector<16xf32>,
            %swap3A_197 = vector.shape_cast %swap3A_196 : vector<16xf32> to vector<16xf32>
            %swap3A_198 = vector.shape_cast %get3A_191 : vector<16xf32> to vector<16xf32>
            tpu.vector_store %arg7[%swap3A_195], %swap3A_198 {strides = array<i32>} : memref<16384xf32, #tpu.memory_space<vmem>>, vector<16xf32>,
            %scan3A_199 = arith.constant 0 : i32
            %scan3A_200 = arith.constant 3 : i32
            %scan3A_201 = arith.addi %scan3A_154, %scan3A_200 : i32
            %mul3A_202 = arith.constant 16 : i32
            %mul3A_203 = arith.muli %scan3A_201, %mul3A_202 : i32
            %add3A_204 = arith.addi %add3A_144, %mul3A_203 : i32
            %get3A_205 = arith.index_cast %add3A_204 : i32 to index
            %get3A_206 = tpu.vector_load %arg5[%get3A_205] {strides = array<i32>} : memref<65536xf32, #tpu.memory_space<vmem>>, vector<16xf32>,
            %get3A_207 = vector.shape_cast %get3A_206 : vector<16xf32> to vector<16xf32>
            %mul3A_208 = arith.constant 16 : i32
            %mul3A_209 = arith.muli %scan3A_201, %mul3A_208 : i32
            %add3A_210 = arith.addi %mul3A_146, %mul3A_209 : i32
            %swap3A_211 = arith.index_cast %add3A_210 : i32 to index
            %swap3A_212 = tpu.vector_load %arg7[%swap3A_211] {strides = array<i32>} : memref<16384xf32, #tpu.memory_space<vmem>>, vector<16xf32>,
            %swap3A_213 = vector.shape_cast %swap3A_212 : vector<16xf32> to vector<16xf32>
            %swap3A_214 = vector.shape_cast %get3A_207 : vector<16xf32> to vector<16xf32>
            tpu.vector_store %arg7[%swap3A_211], %swap3A_214 {strides = array<i32>} : memref<16384xf32, #tpu.memory_space<vmem>>, vector<16xf32>,
            %scan3A_215 = arith.constant 0 : i32
            %scan3A_216 = arith.constant 4 : i32
            %scan3A_217 = arith.addi %scan3A_154, %scan3A_216 : i32
            %mul3A_218 = arith.constant 16 : i32
            %mul3A_219 = arith.muli %scan3A_217, %mul3A_218 : i32
            %add3A_220 = arith.addi %add3A_144, %mul3A_219 : i32
            %get3A_221 = arith.index_cast %add3A_220 : i32 to index
            %get3A_222 = tpu.vector_load %arg5[%get3A_221] {strides = array<i32>} : memref<65536xf32, #tpu.memory_space<vmem>>, vector<16xf32>,
            %get3A_223 = vector.shape_cast %get3A_222 : vector<16xf32> to vector<16xf32>
            %mul3A_224 = arith.constant 16 : i32
            %mul3A_225 = arith.muli %scan3A_217, %mul3A_224 : i32
            %add3A_226 = arith.addi %mul3A_146, %mul3A_225 : i32
            %swap3A_227 = arith.index_cast %add3A_226 : i32 to index
            %swap3A_228 = tpu.vector_load %arg7[%swap3A_227] {strides = array<i32>} : memref<16384xf32, #tpu.memory_space<vmem>>, vector<16xf32>,
            %swap3A_229 = vector.shape_cast %swap3A_228 : vector<16xf32> to vector<16xf32>
            %swap3A_230 = vector.shape_cast %get3A_223 : vector<16xf32> to vector<16xf32>
            tpu.vector_store %arg7[%swap3A_227], %swap3A_230 {strides = array<i32>} : memref<16384xf32, #tpu.memory_space<vmem>>, vector<16xf32>,
            %scan3A_231 = arith.constant 0 : i32
            %scan3A_232 = arith.constant 5 : i32
            %scan3A_233 = arith.addi %scan3A_154, %scan3A_232 : i32
            %mul3A_234 = arith.constant 16 : i32
            %mul3A_235 = arith.muli %scan3A_233, %mul3A_234 : i32
            %add3A_236 = arith.addi %add3A_144, %mul3A_235 : i32
            %get3A_237 = arith.index_cast %add3A_236 : i32 to index
            %get3A_238 = tpu.vector_load %arg5[%get3A_237] {strides = array<i32>} : memref<65536xf32, #tpu.memory_space<vmem>>, vector<16xf32>,
            %get3A_239 = vector.shape_cast %get3A_238 : vector<16xf32> to vector<16xf32>
            %mul3A_240 = arith.constant 16 : i32
            %mul3A_241 = arith.muli %scan3A_233, %mul3A_240 : i32
            %add3A_242 = arith.addi %mul3A_146, %mul3A_241 : i32
            %swap3A_243 = arith.index_cast %add3A_242 : i32 to index
            %swap3A_244 = tpu.vector_load %arg7[%swap3A_243] {strides = array<i32>} : memref<16384xf32, #tpu.memory_space<vmem>>, vector<16xf32>,
            %swap3A_245 = vector.shape_cast %swap3A_244 : vector<16xf32> to vector<16xf32>
            %swap3A_246 = vector.shape_cast %get3A_239 : vector<16xf32> to vector<16xf32>
            tpu.vector_store %arg7[%swap3A_243], %swap3A_246 {strides = array<i32>} : memref<16384xf32, #tpu.memory_space<vmem>>, vector<16xf32>,
            %scan3A_247 = arith.constant 0 : i32
            %scan3A_248 = arith.constant 6 : i32
            %scan3A_249 = arith.addi %scan3A_154, %scan3A_248 : i32
            %mul3A_250 = arith.constant 16 : i32
            %mul3A_251 = arith.muli %scan3A_249, %mul3A_250 : i32
            %add3A_252 = arith.addi %add3A_144, %mul3A_251 : i32
            %get3A_253 = arith.index_cast %add3A_252 : i32 to index
            %get3A_254 = tpu.vector_load %arg5[%get3A_253] {strides = array<i32>} : memref<65536xf32, #tpu.memory_space<vmem>>, vector<16xf32>,
            %get3A_255 = vector.shape_cast %get3A_254 : vector<16xf32> to vector<16xf32>
            %mul3A_256 = arith.constant 16 : i32
            %mul3A_257 = arith.muli %scan3A_249, %mul3A_256 : i32
            %add3A_258 = arith.addi %mul3A_146, %mul3A_257 : i32
            %swap3A_259 = arith.index_cast %add3A_258 : i32 to index
            %swap3A_260 = tpu.vector_load %arg7[%swap3A_259] {strides = array<i32>} : memref<16384xf32, #tpu.memory_space<vmem>>, vector<16xf32>,
            %swap3A_261 = vector.shape_cast %swap3A_260 : vector<16xf32> to vector<16xf32>
            %swap3A_262 = vector.shape_cast %get3A_255 : vector<16xf32> to vector<16xf32>
            tpu.vector_store %arg7[%swap3A_259], %swap3A_262 {strides = array<i32>} : memref<16384xf32, #tpu.memory_space<vmem>>, vector<16xf32>,
            %scan3A_263 = arith.constant 0 : i32
            %scan3A_264 = arith.constant 7 : i32
            %scan3A_265 = arith.addi %scan3A_154, %scan3A_264 : i32
            %mul3A_266 = arith.constant 16 : i32
            %mul3A_267 = arith.muli %scan3A_265, %mul3A_266 : i32
            %add3A_268 = arith.addi %add3A_144, %mul3A_267 : i32
            %get3A_269 = arith.index_cast %add3A_268 : i32 to index
            %get3A_270 = tpu.vector_load %arg5[%get3A_269] {strides = array<i32>} : memref<65536xf32, #tpu.memory_space<vmem>>, vector<16xf32>,
            %get3A_271 = vector.shape_cast %get3A_270 : vector<16xf32> to vector<16xf32>
            %mul3A_272 = arith.constant 16 : i32
            %mul3A_273 = arith.muli %scan3A_265, %mul3A_272 : i32
            %add3A_274 = arith.addi %mul3A_146, %mul3A_273 : i32
            %swap3A_275 = arith.index_cast %add3A_274 : i32 to index
            %swap3A_276 = tpu.vector_load %arg7[%swap3A_275] {strides = array<i32>} : memref<16384xf32, #tpu.memory_space<vmem>>, vector<16xf32>,
            %swap3A_277 = vector.shape_cast %swap3A_276 : vector<16xf32> to vector<16xf32>
            %swap3A_278 = vector.shape_cast %get3A_271 : vector<16xf32> to vector<16xf32>
            tpu.vector_store %arg7[%swap3A_275], %swap3A_278 {strides = array<i32>} : memref<16384xf32, #tpu.memory_space<vmem>>, vector<16xf32>,
            %scan3A_279 = arith.constant 0 : i32
            %scan3A_280 = arith.constant 8 : i32
            %scan3A_281 = arith.addi %scan3A_154, %scan3A_280 : i32
            %mul3A_282 = arith.constant 16 : i32
            %mul3A_283 = arith.muli %scan3A_281, %mul3A_282 : i32
            %add3A_284 = arith.addi %add3A_144, %mul3A_283 : i32
            %get3A_285 = arith.index_cast %add3A_284 : i32 to index
            %get3A_286 = tpu.vector_load %arg5[%get3A_285] {strides = array<i32>} : memref<65536xf32, #tpu.memory_space<vmem>>, vector<16xf32>,
            %get3A_287 = vector.shape_cast %get3A_286 : vector<16xf32> to vector<16xf32>
            %mul3A_288 = arith.constant 16 : i32
            %mul3A_289 = arith.muli %scan3A_281, %mul3A_288 : i32
            %add3A_290 = arith.addi %mul3A_146, %mul3A_289 : i32
            %swap3A_291 = arith.index_cast %add3A_290 : i32 to index
            %swap3A_292 = tpu.vector_load %arg7[%swap3A_291] {strides = array<i32>} : memref<16384xf32, #tpu.memory_space<vmem>>, vector<16xf32>,
            %swap3A_293 = vector.shape_cast %swap3A_292 : vector<16xf32> to vector<16xf32>
            %swap3A_294 = vector.shape_cast %get3A_287 : vector<16xf32> to vector<16xf32>
            tpu.vector_store %arg7[%swap3A_291], %swap3A_294 {strides = array<i32>} : memref<16384xf32, #tpu.memory_space<vmem>>, vector<16xf32>,
            %scan3A_295 = arith.constant 0 : i32
            %scan3A_296 = arith.constant 9 : i32
            %scan3A_297 = arith.addi %scan3A_154, %scan3A_296 : i32
            %mul3A_298 = arith.constant 16 : i32
            %mul3A_299 = arith.muli %scan3A_297, %mul3A_298 : i32
            %add3A_300 = arith.addi %add3A_144, %mul3A_299 : i32
            %get3A_301 = arith.index_cast %add3A_300 : i32 to index
            %get3A_302 = tpu.vector_load %arg5[%get3A_301] {strides = array<i32>} : memref<65536xf32, #tpu.memory_space<vmem>>, vector<16xf32>,
            %get3A_303 = vector.shape_cast %get3A_302 : vector<16xf32> to vector<16xf32>
            %mul3A_304 = arith.constant 16 : i32
            %mul3A_305 = arith.muli %scan3A_297, %mul3A_304 : i32
            %add3A_306 = arith.addi %mul3A_146, %mul3A_305 : i32
            %swap3A_307 = arith.index_cast %add3A_306 : i32 to index
            %swap3A_308 = tpu.vector_load %arg7[%swap3A_307] {strides = array<i32>} : memref<16384xf32, #tpu.memory_space<vmem>>, vector<16xf32>,
            %swap3A_309 = vector.shape_cast %swap3A_308 : vector<16xf32> to vector<16xf32>
            %swap3A_310 = vector.shape_cast %get3A_303 : vector<16xf32> to vector<16xf32>
            tpu.vector_store %arg7[%swap3A_307], %swap3A_310 {strides = array<i32>} : memref<16384xf32, #tpu.memory_space<vmem>>, vector<16xf32>,
            %scan3A_311 = arith.constant 0 : i32
            %scan3A_312 = arith.constant 10 : i32
            %scan3A_313 = arith.addi %scan3A_154, %scan3A_312 : i32
            %mul3A_314 = arith.constant 16 : i32
            %mul3A_315 = arith.muli %scan3A_313, %mul3A_314 : i32
            %add3A_316 = arith.addi %add3A_144, %mul3A_315 : i32
            %get3A_317 = arith.index_cast %add3A_316 : i32 to index
            %get3A_318 = tpu.vector_load %arg5[%get3A_317] {strides = array<i32>} : memref<65536xf32, #tpu.memory_space<vmem>>, vector<16xf32>,
            %get3A_319 = vector.shape_cast %get3A_318 : vector<16xf32> to vector<16xf32>
            %mul3A_320 = arith.constant 16 : i32
            %mul3A_321 = arith.muli %scan3A_313, %mul3A_320 : i32
            %add3A_322 = arith.addi %mul3A_146, %mul3A_321 : i32
            %swap3A_323 = arith.index_cast %add3A_322 : i32 to index
            %swap3A_324 = tpu.vector_load %arg7[%swap3A_323] {strides = array<i32>} : memref<16384xf32, #tpu.memory_space<vmem>>, vector<16xf32>,
            %swap3A_325 = vector.shape_cast %swap3A_324 : vector<16xf32> to vector<16xf32>
            %swap3A_326 = vector.shape_cast %get3A_319 : vector<16xf32> to vector<16xf32>
            tpu.vector_store %arg7[%swap3A_323], %swap3A_326 {strides = array<i32>} : memref<16384xf32, #tpu.memory_space<vmem>>, vector<16xf32>,
            %scan3A_327 = arith.constant 0 : i32
            %scan3A_328 = arith.constant 11 : i32
            %scan3A_329 = arith.addi %scan3A_154, %scan3A_328 : i32
            %mul3A_330 = arith.constant 16 : i32
            %mul3A_331 = arith.muli %scan3A_329, %mul3A_330 : i32
            %add3A_332 = arith.addi %add3A_144, %mul3A_331 : i32
            %get3A_333 = arith.index_cast %add3A_332 : i32 to index
            %get3A_334 = tpu.vector_load %arg5[%get3A_333] {strides = array<i32>} : memref<65536xf32, #tpu.memory_space<vmem>>, vector<16xf32>,
            %get3A_335 = vector.shape_cast %get3A_334 : vector<16xf32> to vector<16xf32>
            %mul3A_336 = arith.constant 16 : i32
            %mul3A_337 = arith.muli %scan3A_329, %mul3A_336 : i32
            %add3A_338 = arith.addi %mul3A_146, %mul3A_337 : i32
            %swap3A_339 = arith.index_cast %add3A_338 : i32 to index
            %swap3A_340 = tpu.vector_load %arg7[%swap3A_339] {strides = array<i32>} : memref<16384xf32, #tpu.memory_space<vmem>>, vector<16xf32>,
            %swap3A_341 = vector.shape_cast %swap3A_340 : vector<16xf32> to vector<16xf32>
            %swap3A_342 = vector.shape_cast %get3A_335 : vector<16xf32> to vector<16xf32>
            tpu.vector_store %arg7[%swap3A_339], %swap3A_342 {strides = array<i32>} : memref<16384xf32, #tpu.memory_space<vmem>>, vector<16xf32>,
            %scan3A_343 = arith.constant 0 : i32
            %scan3A_344 = arith.constant 12 : i32
            %scan3A_345 = arith.addi %scan3A_154, %scan3A_344 : i32
            %mul3A_346 = arith.constant 16 : i32
            %mul3A_347 = arith.muli %scan3A_345, %mul3A_346 : i32
            %add3A_348 = arith.addi %add3A_144, %mul3A_347 : i32
            %get3A_349 = arith.index_cast %add3A_348 : i32 to index
            %get3A_350 = tpu.vector_load %arg5[%get3A_349] {strides = array<i32>} : memref<65536xf32, #tpu.memory_space<vmem>>, vector<16xf32>,
            %get3A_351 = vector.shape_cast %get3A_350 : vector<16xf32> to vector<16xf32>
            %mul3A_352 = arith.constant 16 : i32
            %mul3A_353 = arith.muli %scan3A_345, %mul3A_352 : i32
            %add3A_354 = arith.addi %mul3A_146, %mul3A_353 : i32
            %swap3A_355 = arith.index_cast %add3A_354 : i32 to index
            %swap3A_356 = tpu.vector_load %arg7[%swap3A_355] {strides = array<i32>} : memref<16384xf32, #tpu.memory_space<vmem>>, vector<16xf32>,
            %swap3A_357 = vector.shape_cast %swap3A_356 : vector<16xf32> to vector<16xf32>
            %swap3A_358 = vector.shape_cast %get3A_351 : vector<16xf32> to vector<16xf32>
            tpu.vector_store %arg7[%swap3A_355], %swap3A_358 {strides = array<i32>} : memref<16384xf32, #tpu.memory_space<vmem>>, vector<16xf32>,
            %scan3A_359 = arith.constant 0 : i32
            %scan3A_360 = arith.constant 13 : i32
            %scan3A_361 = arith.addi %scan3A_154, %scan3A_360 : i32
            %mul3A_362 = arith.constant 16 : i32
            %mul3A_363 = arith.muli %scan3A_361, %mul3A_362 : i32
            %add3A_364 = arith.addi %add3A_144, %mul3A_363 : i32
            %get3A_365 = arith.index_cast %add3A_364 : i32 to index
            %get3A_366 = tpu.vector_load %arg5[%get3A_365] {strides = array<i32>} : memref<65536xf32, #tpu.memory_space<vmem>>, vector<16xf32>,
            %get3A_367 = vector.shape_cast %get3A_366 : vector<16xf32> to vector<16xf32>
            %mul3A_368 = arith.constant 16 : i32
            %mul3A_369 = arith.muli %scan3A_361, %mul3A_368 : i32
            %add3A_370 = arith.addi %mul3A_146, %mul3A_369 : i32
            %swap3A_371 = arith.index_cast %add3A_370 : i32 to index
            %swap3A_372 = tpu.vector_load %arg7[%swap3A_371] {strides = array<i32>} : memref<16384xf32, #tpu.memory_space<vmem>>, vector<16xf32>,
            %swap3A_373 = vector.shape_cast %swap3A_372 : vector<16xf32> to vector<16xf32>
            %swap3A_374 = vector.shape_cast %get3A_367 : vector<16xf32> to vector<16xf32>
            tpu.vector_store %arg7[%swap3A_371], %swap3A_374 {strides = array<i32>} : memref<16384xf32, #tpu.memory_space<vmem>>, vector<16xf32>,
            %scan3A_375 = arith.constant 0 : i32
            %scan3A_376 = arith.constant 14 : i32
            %scan3A_377 = arith.addi %scan3A_154, %scan3A_376 : i32
            %mul3A_378 = arith.constant 16 : i32
            %mul3A_379 = arith.muli %scan3A_377, %mul3A_378 : i32
            %add3A_380 = arith.addi %add3A_144, %mul3A_379 : i32
            %get3A_381 = arith.index_cast %add3A_380 : i32 to index
            %get3A_382 = tpu.vector_load %arg5[%get3A_381] {strides = array<i32>} : memref<65536xf32, #tpu.memory_space<vmem>>, vector<16xf32>,
            %get3A_383 = vector.shape_cast %get3A_382 : vector<16xf32> to vector<16xf32>
            %mul3A_384 = arith.constant 16 : i32
            %mul3A_385 = arith.muli %scan3A_377, %mul3A_384 : i32
            %add3A_386 = arith.addi %mul3A_146, %mul3A_385 : i32
            %swap3A_387 = arith.index_cast %add3A_386 : i32 to index
            %swap3A_388 = tpu.vector_load %arg7[%swap3A_387] {strides = array<i32>} : memref<16384xf32, #tpu.memory_space<vmem>>, vector<16xf32>,
            %swap3A_389 = vector.shape_cast %swap3A_388 : vector<16xf32> to vector<16xf32>
            %swap3A_390 = vector.shape_cast %get3A_383 : vector<16xf32> to vector<16xf32>
            tpu.vector_store %arg7[%swap3A_387], %swap3A_390 {strides = array<i32>} : memref<16384xf32, #tpu.memory_space<vmem>>, vector<16xf32>,
            %scan3A_391 = arith.constant 0 : i32
            %scan3A_392 = arith.constant 15 : i32
            %scan3A_393 = arith.addi %scan3A_154, %scan3A_392 : i32
            %mul3A_394 = arith.constant 16 : i32
            %mul3A_395 = arith.muli %scan3A_393, %mul3A_394 : i32
            %add3A_396 = arith.addi %add3A_144, %mul3A_395 : i32
            %get3A_397 = arith.index_cast %add3A_396 : i32 to index
            %get3A_398 = tpu.vector_load %arg5[%get3A_397] {strides = array<i32>} : memref<65536xf32, #tpu.memory_space<vmem>>, vector<16xf32>,
            %get3A_399 = vector.shape_cast %get3A_398 : vector<16xf32> to vector<16xf32>
            %mul3A_400 = arith.constant 16 : i32
            %mul3A_401 = arith.muli %scan3A_393, %mul3A_400 : i32
            %add3A_402 = arith.addi %mul3A_146, %mul3A_401 : i32
            %swap3A_403 = arith.index_cast %add3A_402 : i32 to index
            %swap3A_404 = tpu.vector_load %arg7[%swap3A_403] {strides = array<i32>} : memref<16384xf32, #tpu.memory_space<vmem>>, vector<16xf32>,
            %swap3A_405 = vector.shape_cast %swap3A_404 : vector<16xf32> to vector<16xf32>
            %swap3A_406 = vector.shape_cast %get3A_399 : vector<16xf32> to vector<16xf32>
            tpu.vector_store %arg7[%swap3A_403], %swap3A_406 {strides = array<i32>} : memref<16384xf32, #tpu.memory_space<vmem>>, vector<16xf32>,
            %scan3A_407 = arith.constant 0 : i32
            scf.yield %scan3A_407 : i32
          }
          %scan3A_153 = arith.constant 64 : i32
          scf.yield %scan3A_152 : i32
        }
        %scan3A_117 = arith.constant 16 : i32
        %mul3A_118 = arith.constant 32 : i32
        %mul3A_119 = arith.muli %add3A_94, %mul3A_118 : i32
        %mul3A_120 = arith.constant 1024 : i32
        %mul3A_121 = arith.muli %mul3A_119, %mul3A_120 : i32
        %add3A_122 = arith.addi %mul3A_4, %mul3A_121 : i32
        %mul3A_123 = arith.constant 16384 : i32
        %mul3A_124 = arith.muli %select_n3A_110, %mul3A_123 : i32
        %add3A_125 = arith.addi %add3A_122, %mul3A_124 : i32
        %dma_start3A = arith.constant 0 : i32
        %dma_start3A_126 = tpu.memref_slice %arg7[%dma_start3A] : memref<16384xf32, #tpu.memory_space<vmem>> -> memref<16384xf32, #tpu.memory_space<vmem>>
        %dma_start3A_127 = tpu.memref_slice %arg3[%add3A_125] : memref<33554432xf32, #tpu.memory_space<hbm>> -> memref<16384xf32, #tpu.memory_space<hbm>>
        %dma_start3A_128 = tpu.memref_slice %arg3[%add3A_125] : memref<33554432xf32, #tpu.memory_space<hbm>> -> memref<16384xf32, #tpu.memory_space<hbm>>
        %dma_start3A_129 = arith.constant 0 : i32
        %dma_start3A_130 = tpu.memref_slice %arg7[%dma_start3A_129] : memref<16384xf32, #tpu.memory_space<vmem>> -> memref<16384xf32, #tpu.memory_space<vmem>>
        tpu.enqueue_dma source(%dma_start3A_130 : memref<16384xf32, #tpu.memory_space<vmem>>) target(%dma_start3A_128 : memref<16384xf32, #tpu.memory_space<hbm>>) target_semaphore(%arg9 : memref<!tpu.dma_semaphore, #tpu.memory_space<semaphore_mem>>)
      } else {
      }
      %scan3A_71 = arith.constant 0 : i32
      scf.yield %scan3A_71 : i32
    }
    %scan3A_17 = arith.constant 32 : i32
    %scan3A_18 = arith.constant 0 : i32
    %scan3A_19 = arith.constant 0 : i32
    %scan3A_20 = arith.constant 2 : i32
    %scan3A_21 = arith.addi %scan3A_19, %scan3A_20 : i32
    %scan3A_22 = arith.constant 1 : i32
    %scan3A_23 = scf.for %scan3A_32 = %scan3A_19 to %scan3A_21 step %scan3A_22 iter_args(%scan3A_33 = %scan3A_18) -> (i32)  : i32 {
      %dma_wait3A = arith.constant 0 : i32
      %dma_wait3A_34 = tpu.memref_slice %arg6[%dma_wait3A] : memref<16384xf32, #tpu.memory_space<vmem>> -> memref<16384xf32, #tpu.memory_space<vmem>>
      %dma_wait3A_35 = tpu.memref_slice %arg3[%mul3A_4] : memref<33554432xf32, #tpu.memory_space<hbm>> -> memref<16384xf32, #tpu.memory_space<hbm>>
      %dma_wait3A_36 = tpu.memref_slice %arg3[%mul3A_4] : memref<33554432xf32, #tpu.memory_space<hbm>> -> memref<16384xf32, #tpu.memory_space<hbm>>
      %dma_wait3A_37 = arith.constant 0 : i32
      %dma_wait3A_38 = tpu.memref_slice %arg6[%dma_wait3A_37] : memref<16384xf32, #tpu.memory_space<vmem>> -> memref<16384xf32, #tpu.memory_space<vmem>>
      tpu.wait_dma2 semaphore(%arg9 : memref<!tpu.dma_semaphore, #tpu.memory_space<semaphore_mem>>) src(%dma_wait3A_38 : memref<16384xf32, #tpu.memory_space<vmem>>) dst(%dma_wait3A_36 : memref<16384xf32, #tpu.memory_space<hbm>>)
      %scan3A_39 = arith.constant 0 : i32
      scf.yield %scan3A_39 : i32
    }
    %scan3A_24 = arith.constant 2 : i32
    %scan3A_25 = arith.constant 0 : i32
    %scan3A_26 = arith.constant 0 : i32
    %scan3A_27 = arith.constant 512 : i32
    %scan3A_28 = arith.addi %scan3A_26, %scan3A_27 : i32
    %scan3A_29 = arith.constant 4 : i32
    %scan3A_30 = scf.for %scan3A_32 = %scan3A_26 to %scan3A_28 step %scan3A_29 iter_args(%scan3A_33 = %scan3A_25) -> (i32)  : i32 {
      %mul3A_34 = arith.constant 1024 : i32
      %mul3A_35 = arith.muli %scan3A_32, %mul3A_34 : i32
      %add3A_36 = arith.addi %mul3A_4, %mul3A_35 : i32
      %dma_wait3A = arith.constant 0 : i32
      %dma_wait3A_37 = tpu.memref_slice %arg5[%dma_wait3A] : memref<65536xf32, #tpu.memory_space<vmem>> -> memref<1024xf32, #tpu.memory_space<vmem>>
      %dma_wait3A_38 = tpu.memref_slice %arg3[%add3A_36] : memref<33554432xf32, #tpu.memory_space<hbm>> -> memref<1024xf32, #tpu.memory_space<hbm>>
      %dma_wait3A_39 = tpu.memref_slice %arg3[%add3A_36] : memref<33554432xf32, #tpu.memory_space<hbm>> -> memref<1024xf32, #tpu.memory_space<hbm>>
      %dma_wait3A_40 = arith.constant 0 : i32
      %dma_wait3A_41 = tpu.memref_slice %arg5[%dma_wait3A_40] : memref<65536xf32, #tpu.memory_space<vmem>> -> memref<1024xf32, #tpu.memory_space<vmem>>
      tpu.wait_dma2 semaphore(%arg8 : memref<!tpu.dma_semaphore, #tpu.memory_space<semaphore_mem>>) src(%dma_wait3A_41 : memref<1024xf32, #tpu.memory_space<vmem>>) dst(%dma_wait3A_39 : memref<1024xf32, #tpu.memory_space<hbm>>)
      %scan3A_42 = arith.constant 0 : i32
      %scan3A_43 = arith.constant 1 : i32
      %scan3A_44 = arith.addi %scan3A_32, %scan3A_43 : i32
      %mul3A_45 = arith.constant 1024 : i32
      %mul3A_46 = arith.muli %scan3A_44, %mul3A_45 : i32
      %add3A_47 = arith.addi %mul3A_4, %mul3A_46 : i32
      %dma_wait3A_48 = arith.constant 0 : i32
      %dma_wait3A_49 = tpu.memref_slice %arg5[%dma_wait3A_48] : memref<65536xf32, #tpu.memory_space<vmem>> -> memref<1024xf32, #tpu.memory_space<vmem>>
      %dma_wait3A_50 = tpu.memref_slice %arg3[%add3A_47] : memref<33554432xf32, #tpu.memory_space<hbm>> -> memref<1024xf32, #tpu.memory_space<hbm>>
      %dma_wait3A_51 = tpu.memref_slice %arg3[%add3A_47] : memref<33554432xf32, #tpu.memory_space<hbm>> -> memref<1024xf32, #tpu.memory_space<hbm>>
      %dma_wait3A_52 = arith.constant 0 : i32
      %dma_wait3A_53 = tpu.memref_slice %arg5[%dma_wait3A_52] : memref<65536xf32, #tpu.memory_space<vmem>> -> memref<1024xf32, #tpu.memory_space<vmem>>
      tpu.wait_dma2 semaphore(%arg8 : memref<!tpu.dma_semaphore, #tpu.memory_space<semaphore_mem>>) src(%dma_wait3A_53 : memref<1024xf32, #tpu.memory_space<vmem>>) dst(%dma_wait3A_51 : memref<1024xf32, #tpu.memory_space<hbm>>)
      %scan3A_54 = arith.constant 0 : i32
      %scan3A_55 = arith.constant 2 : i32
      %scan3A_56 = arith.addi %scan3A_32, %scan3A_55 : i32
      %mul3A_57 = arith.constant 1024 : i32
      %mul3A_58 = arith.muli %scan3A_56, %mul3A_57 : i32
      %add3A_59 = arith.addi %mul3A_4, %mul3A_58 : i32
      %dma_wait3A_60 = arith.constant 0 : i32
      %dma_wait3A_61 = tpu.memref_slice %arg5[%dma_wait3A_60] : memref<65536xf32, #tpu.memory_space<vmem>> -> memref<1024xf32, #tpu.memory_space<vmem>>
      %dma_wait3A_62 = tpu.memref_slice %arg3[%add3A_59] : memref<33554432xf32, #tpu.memory_space<hbm>> -> memref<1024xf32, #tpu.memory_space<hbm>>
      %dma_wait3A_63 = tpu.memref_slice %arg3[%add3A_59] : memref<33554432xf32, #tpu.memory_space<hbm>> -> memref<1024xf32, #tpu.memory_space<hbm>>
      %dma_wait3A_64 = arith.constant 0 : i32
      %dma_wait3A_65 = tpu.memref_slice %arg5[%dma_wait3A_64] : memref<65536xf32, #tpu.memory_space<vmem>> -> memref<1024xf32, #tpu.memory_space<vmem>>
      tpu.wait_dma2 semaphore(%arg8 : memref<!tpu.dma_semaphore, #tpu.memory_space<semaphore_mem>>) src(%dma_wait3A_65 : memref<1024xf32, #tpu.memory_space<vmem>>) dst(%dma_wait3A_63 : memref<1024xf32, #tpu.memory_space<hbm>>)
      %scan3A_66 = arith.constant 0 : i32
      %scan3A_67 = arith.constant 3 : i32
      %scan3A_68 = arith.addi %scan3A_32, %scan3A_67 : i32
      %mul3A_69 = arith.constant 1024 : i32
      %mul3A_70 = arith.muli %scan3A_68, %mul3A_69 : i32
      %add3A_71 = arith.addi %mul3A_4, %mul3A_70 : i32
      %dma_wait3A_72 = arith.constant 0 : i32
      %dma_wait3A_73 = tpu.memref_slice %arg5[%dma_wait3A_72] : memref<65536xf32, #tpu.memory_space<vmem>> -> memref<1024xf32, #tpu.memory_space<vmem>>
      %dma_wait3A_74 = tpu.memref_slice %arg3[%add3A_71] : memref<33554432xf32, #tpu.memory_space<hbm>> -> memref<1024xf32, #tpu.memory_space<hbm>>
      %dma_wait3A_75 = tpu.memref_slice %arg3[%add3A_71] : memref<33554432xf32, #tpu.memory_space<hbm>> -> memref<1024xf32, #tpu.memory_space<hbm>>
      %dma_wait3A_76 = arith.constant 0 : i32
      %dma_wait3A_77 = tpu.memref_slice %arg5[%dma_wait3A_76] : memref<65536xf32, #tpu.memory_space<vmem>> -> memref<1024xf32, #tpu.memory_space<vmem>>
      tpu.wait_dma2 semaphore(%arg8 : memref<!tpu.dma_semaphore, #tpu.memory_space<semaphore_mem>>) src(%dma_wait3A_77 : memref<1024xf32, #tpu.memory_space<vmem>>) dst(%dma_wait3A_75 : memref<1024xf32, #tpu.memory_space<hbm>>)
      %scan3A_78 = arith.constant 0 : i32
      scf.yield %scan3A_78 : i32
    }
    %scan3A_31 = arith.constant 512 : i32
    return
  }
}

</mosaic_0001>

<sc_bundles>
// kernel: kernel.3.cloned.1.call-start
scs
__scs_entry_jumppad:
0x0: {  	(pc) =	sbr.rel $0x88, $3  }
0x1: {  	(tag) =	ssettag $0x0;
	lr =	simm.s32 $0x1  }
0x2: {  	[smem:$0x3FA0] =	sst lr;
	_ =	strace $0xD0000000  }
0x3: {  	_ = 	snop  }
0x4: {  	_ = 	snop  }
0x5: {  	_ = 	snop  }
0x6: {  	_ = 	snop  }
0x7: {  	_ = 	snop  }
__scs_overlays_trampoline_lowered:
0x8: {  	[smem:$0x3FAF] =	sst s0  }
0x9: {  	[smem:$0x3FB0] =	sst s1  }
0xa: {  	[smem:$0x3FB1] =	sst s2  }
0xb: {  	[smem:$0x3FB2] =	sst s3  }
0xc: {  	[smem:$0x3FB3] =	sst s4  }
0xd: {  	[smem:$0x3FB4] =	sst s5  }
0xe: {  	[smem:$0x3FB5] =	sst s6  }
0xf: {  	[smem:$0x3FB6] =	sst s7  }
0x10: {  	[smem:$0x3FB7] =	sst s8  }
0x11: {  	[smem:$0x3FB8] =	sst s9;
	s0 =	simm.s32 @!p0 $0x0  }
0x12: {  	s1 =	sld [smem:$0x3F9E];
	s0 =	simm.s32 @p0 $0x1  }
0x13: {  	[smem:$0x3FB9] =	sst s0;
	s0 =	simm.s32 @!p1 $0x0  }
0x14: {  	s2 =	sld [smem:$0x3F9D];
	s0 =	simm.s32 @p1 $0x1  }
0x15: {  	[smem:$0x3FBA] =	sst s0;
	s0 =	simm.s32 @!p2 $0x0  }
0x16: {  	s3 =	sld [smem:$0x3FDB];
	s0 =	simm.s32 @p2 $0x1  }
0x17: {  	s4 =	simm.s32 $0x1BF5;
	[smem:$0x3FBC] =	sst s0  }
0x18: {  	s0 =	sld [smem:$0x3F9F];
	_ =	swait.ge [sflag:s4], $0x0  }
0x19: {  	s7 =	sld [smem:$0x3FA0]  }
0x1a: {  	s8 =	sadd.s32 $0xFFFFE003, lr  }
0x1b: {  	s9 =	sadd.s32 $0xFFFFFEF7, lr;
	s5 =	simm.s32 $0xFFFFFFFF;
	p2 =	slt.u32 s8, $0xFFFFF086  }
0x1c: {  	p1 =	slt.u32 s9, $0xF7A;
	s5 =	simm.s32 @!p2 $0x0  }
0x1d: {  	s5 =	simm.s32 @p1 $0x1;
	p0 =	seq.s32 s7, s2  }
0x1e: {  	s7 =	smul.u32 @!p0 $0xF7A, s2;
	p2 =	seq.s32 @!p0 s5, $0x0  }
0x1f: {  	s9 =	smul.u32 $0xF7A, s1;
	s8 =	simm.s32 @!p0 $0x1BF5;
	p2 =	por !p2, p0  }
0x20: {  	[sflag:s8] =	ssyncset.s32 @!p0 $0xFFFFF086;
	s6 =	sadd.s32 @!p0 s3, s7;
	s7 =	simm.s32 @!p0 $0x108  }
0x21: {  	s3 =	sadd.s32 s3, s9;
	s6 =	sadd.s32 @!p0 $0x88, s6;
	s7 =	simm.s32 @p2 $0x1082  }
0x22: {  	[simem:s7], [sflag:s8] =	dma.local @!p0 [hbm:s6], $0xF7A  }
0x23: {  	s9 =	sor.u32 $0xD0000000, s2;
	s6 =	simm.s32 $0x108;
	_ =	swait.ge @!p0 [sflag:s8], $0x0  }
0x24: {  	s3 =	sadd.s32 $0x88, s3;
	s6 =	simm.s32 @!p1 $0x1082;
	[sflag:s4] =	ssyncset.s32 $0xFFFFF086  }
0x25: {  	[simem:s6], [sflag:s4] =	dma.local [hbm:s3], $0xF7A  }
0x26: {  	[smem:$0x3FA0] =	sst s1;
	(tag) =	ssettag s2;
	_ =	strace s9  }
0x27: {  	s1 =	sld [smem:$0x3FB0]  }
0x28: {  	s2 =	sld [smem:$0x3FB1]  }
0x29: {  	s4 =	sld [smem:$0x3FB3]  }
0x2a: {  	p0 =	seq.s32 s5, $0x0;
	s5 =	sld [smem:$0x3FB4]  }
0x2b: {  	s6 =	sld [smem:$0x3FB5]  }
0x2c: {  	s7 =	sld [smem:$0x3FB6]  }
0x2d: {  	s3 =	simm.s32 $0x108;
	s8 =	sld [smem:$0x3FB7]  }
0x2e: {  	s3 =	simm.s32 @!p0 $0x1082;
	s9 =	sld [smem:$0x3FB8]  }
0x2f: {  	lr =	sadd.s32 s0, s3;
	s0 =	sld [smem:$0x3FAF]  }
0x30: {  	s3 =	sld [smem:$0x3FB2]  }
0x31: {  	[smem:$0x3FBB] =	sst s10  }
0x32: {  	s10 =	sld [smem:$0x3FB9];
	_ =	sdelay $0x3  }
0x33: {  	p0 =	seq.s32 s10, $0x1;
	s10 =	sld [smem:$0x3FBB];
	_ =	sdelay $0x3  }
0x34: {  	[smem:$0x3FBB] =	sst s10  }
0x35: {  	s10 =	sld [smem:$0x3FBA];
	_ =	sdelay $0x3  }
0x36: {  	p1 =	seq.s32 s10, $0x1;
	s10 =	sld [smem:$0x3FBB];
	_ =	sdelay $0x3  }
0x37: {  	[smem:$0x3FBB] =	sst s10  }
0x38: {  	s10 =	sld [smem:$0x3FBC]  }
0x39: {  	_ = 	snop;
	(pc) =	sbr.ind lr, $3  }
0x3a: {  	_ = 	snop  }
0x3b: {  	_ = 	snop  }
0x3c: {  	p2 =	seq.s32 s10, $0x1;
	s10 =	sld [smem:$0x3FBB]  }
0x3d: {  	_ =	shalt  }
0x3e: {  	_ =	shalt  }
0x3f: {  	_ =	shalt  }
0x40: {  	_ =	shalt  }
0x41: {  	_ =	shalt  }
0x42: {  	_ =	shalt  }
0x43: {  	_ =	shalt  }
0x44: {  	_ =	shalt  }
0x45: {  	_ =	shalt  }
0x46: {  	_ =	shalt  }
0x47: {  	_ =	shalt  }
0x48: {  	_ =	shalt  }
0x49: {  	_ =	shalt  }
0x4a: {  	_ =	shalt  }
0x4b: {  	_ =	shalt  }
0x4c: {  	_ =	shalt  }
0x4d: {  	_ =	shalt  }
0x4e: {  	_ =	shalt  }
0x4f: {  	_ =	shalt  }
0x50: {  	_ =	shalt  }
0x51: {  	_ =	shalt  }
0x52: {  	_ =	shalt  }
0x53: {  	_ =	shalt  }
0x54: {  	_ =	shalt  }
0x55: {  	_ =	shalt  }
0x56: {  	_ =	shalt  }
0x57: {  	_ =	shalt  }
0x58: {  	_ =	shalt  }
0x59: {  	_ =	shalt  }
0x5a: {  	_ =	shalt  }
0x5b: {  	_ =	shalt  }
0x5c: {  	_ =	shalt  }
0x5d: {  	_ =	shalt  }
0x5e: {  	_ =	shalt  }
0x5f: {  	_ =	shalt  }
0x60: {  	_ =	shalt  }
0x61: {  	_ =	shalt  }
0x62: {  	_ =	shalt  }
0x63: {  	_ =	shalt  }
0x64: {  	_ =	shalt  }
0x65: {  	_ =	shalt  }
0x66: {  	_ =	shalt  }
0x67: {  	_ =	shalt  }
0x68: {  	_ =	shalt  }
0x69: {  	_ =	shalt  }
0x6a: {  	_ =	shalt  }
0x6b: {  	_ =	shalt  }
0x6c: {  	_ =	shalt  }
0x6d: {  	_ =	shalt  }
0x6e: {  	_ =	shalt  }
0x6f: {  	_ =	shalt  }
0x70: {  	_ =	shalt  }
0x71: {  	_ =	shalt  }
0x72: {  	_ =	shalt  }
0x73: {  	_ =	shalt  }
0x74: {  	_ =	shalt  }
0x75: {  	_ =	shalt  }
0x76: {  	_ =	shalt  }
0x77: {  	_ =	shalt  }
0x78: {  	_ =	shalt  }
0x79: {  	_ =	shalt  }
0x7a: {  	_ =	shalt  }
0x7b: {  	_ =	shalt  }
0x7c: {  	_ =	shalt  }
0x7d: {  	_ =	shalt  }
0x7e: {  	_ =	shalt  }
0x7f: {  	_ =	shalt  }
0x80: {  	_ =	shalt  }
0x81: {  	_ =	shalt  }
0x82: {  	_ =	shalt  }
0x83: {  	_ =	shalt  }
0x84: {  	_ =	shalt  }
0x85: {  	_ =	shalt  }
0x86: {  	_ =	shalt  }
0x87: {  	_ =	shalt  }
.Lfunc_end0:
.L_simem_size_0:
called_computation_lowered:
.L_overlay_start_0:
0x88: {  	s2 =	sld [smem:$0x3FD9]  }
0x89: {  	s3 =	sld [smem:$0x3FFE];
	_ =	sdelay $0x1  }
0x8a: {  	s1 =	srdreg.scid  }
0x8b: {  	s0 =	sand.u32 $0x1, s1  }
0x8c: {  	s17 =	sshll.u32 s0, $0xA;
	s2 =	sadd.s32 s3, s2  }
0x8d: {  	s2 =	sadd.s32 s2, s17  }
0x8e: {  	[smem:$0x3FC7] =	sst s2  }
0x8f: {  	_ = 	snop  }
0x90: {  	s2 =	sld [smem:$0x3FD0];
	(tm) =	ssettm $0x1  }
0x91: {  	s18 =	sld [smem:$0x3FFB];
	_ =	sdelay $0x3  }
0x92: {  	_ =	strace s18  }
0x93: {  	s3 =	sld [smem:$0x3FFC];
	_ =	sdelay $0x3  }
0x94: {  	_ =	strace s3  }
0x95: {  	s3 =	sld [smem:$0x3FFD];
	_ =	sdelay $0x3  }
0x96: {  	_ =	strace s3  }
0x97: {  	_ =	strace $0x8FFFFFFF  }
0x98: {  	s19 =	sld [smem:$0x3FDB];
	_ =	sdelay $0x1  }
0x99: {  	s4 =	simm.s32 $_scs_section_size  }
0x9a: {  	s5 =	simm.s32 $_size__tile_overlayer_lowered;
	s6 =	simm.s32 $_tile_overlayer_lowered  }
0x9b: {  	s22 =	simm.s32 $0x1BFF;
	s21 =	sshll.u32 s6, $0x1;
	s3 =	sadd.s32 s4, s19  }
0x9c: {  	s7 =	simm.s32 $0x0;
	s20 =	sshll.u32 s5, $0x1;
	s5 =	sadd.s32 s21, s3  }
0x9d: {  	[timem:s7], [sflag:s22] =	dma.local [hbm:s5], s20  }
0x9e: {  	_ =	swait.ge [sflag:s22], s20  }
0x9f: {  	s4 =	ssub.s32 $0x0, s20;
	[sflag:s22] =	ssyncset.done $0x0  }
0xa0: {  	[sflag:s22] =	ssyncadd.s32 s4;
	_ =	sdelay $0x1  }
0xa1: {  	s23 =	simm.s32 $0x1B8B  }
0xa2: {  	_ =	swait.ge [sflag:s23], $0x1  }
0xa3: {  	[sflag:s23] =	ssyncset.done $0x0  }
0xa4: {  	s25 =	simm.s32 $0x1B8E;
	s24 =	sld [smem:$0x3FFE];
	[sflag:s23] =	ssyncadd.s32 $0xFFFFFFFF  }
0xa5: {  	s26 =	simm.s32 $execute0_lowered;
	[smem:$0x3FD2] =	sst s25  }
0xa6: {  	s5 =	sshll.u32 s26, $0x1;
	_ =	strace $0x80000046;
	[dreg:$0x1] =	wrdreg $0xFFFFFFFF  }
0xa7: {  	s28 =	simm.s32 $_size_execute0_lowered;
	s3 =	sadd.s32 s3, s5;
	[dreg:$0x0] =	wrdreg $0x0  }
0xa8: {  	s5 =	sshll.u32 s28, $0x1;
	[dreg:$0x2] =	wrdreg s3  }
0xa9: {  	[dreg:$0x3] =	wrdreg s5  }
0xaa: {  	[dreg:$0x4] =	wrdreg $0xC0  }
0xab: {  	_ =	task [dreg:s7], $0x5FFFF  }
0xac: {  	[dreg:$0x1] =	wrdreg $0xFFFFFFFF  }
0xad: {  	[dreg:$0x0] =	wrdreg $0x60  }
0xae: {  	[dreg:$0x2] =	wrdreg s2  }
0xaf: {  	[dreg:$0x3] =	wrdreg s24  }
0xb0: {  	[dreg:$0x4] =	wrdreg $0x9  }
0xb1: {  	_ =	task.clear_ibuf [dreg:s7], $0x5FFFF;
	_ =	strace $0x90000046  }
0xb2: {  	s29 =	simm.s32 $0x9;
	_ =	strace $0x80000048  }
0xb3: {  	_ =	swait.ge [sflag:s29], $0x1  }
0xb4: {  	[sflag:s29] =	ssyncadd.s32 $0xFFFFFFFF  }
0xb5: {  	_ =	strace $0x90000048  }
0xb6: {  	_ =	sfence  }
0xb7: {  	s30 =	sld [smem:$0x0];
	_ =	sdelay $0x2  }
0xb8: {  	s31 =	sshll.u32 s1, $0xD;
	s1 =	sshrl.u32 s1, $0x2  }
0xb9: {  	s3 =	sand.u32 $0x4000, s31;
	s1 =	sadd.s32 s1, s30  }
0xba: {  	s0 =	sor.u32 s3, s0;
	s1 =	sshll.u32 s1, $0x11  }
0xbb: {  	s0 =	sor.u32 s1, s0  }
0xbc: {  	s0 =	sadd.s32 $0x8F2B, s0  }
0xbd: {  	[sflag:s0] =	ssyncadd.remote.s32 $0x1  }
0xbe: {  	_ =	sfence.sel $0xFFFF  }
0xbf: {  	[dreg:$0x0] =	wrdreg $0xFFFFFFFF;
	(pc) =	sbr.abs _section_cstart, $3  }
0xc0: {  	[dreg:$0x1] =	wrdreg $0xFFFFFFFF  }
0xc1: {  	_ =	task.clear_ibuf [dreg:s7], $0x2FFFF;
	_ =	strace $0x9FFFFFFF  }
0xc2: {  	(tm) =	ssettm $0x7FFFFFFF  }
0xc3: {  	_ =	shalt  }
tec
execute0_lowered:
.L_overlay_start_1:
0x0: {  	(tag) =	ssettag $0x1  }
0x1: {  	s4 =	rddreg [dreg:$0x0]  }
0x2: {  	s6 =	rddreg [dreg:$0x1]  }
0x3: {  	s0 =	rddreg [dreg:$0x2]  }
0x4: {  	s3 =	srdreg.scid;
	s1 =	stileid.u32  }
0x5: {  	s2 =	simm.s32 $0x0;
	s10 =	simm.s32 $0x16000;
	s11 =	simm.s32 $0x2  }
0x6: {  	s12 =	simm.s32 $0x12000;
	s13 =	simm.s32 $0x0;
	s3 =	sand.u32 $0x1, s3  }
0x7: {  	s5 =	sshll.u32 s1, $0x1;
	[smem:$0x7FF] =	sst s2;
	s7 =	ssub.s32 $0x2, s3  }
0x8: {  	s5 =	sor.u32 s3, s5;
	_ =	strace $0x80000047;
	s3 =	sadd.s32 $0x400, s6  }
0x9: {  	s6 =	sadd.s32 $0x10400, s6;
	s8 =	sshrl.u32 s7, $0x1;
	s9 =	sshll.u32 s5, $0xA  }
0xa: {  	s5 =	sshll.u32 s5, $0x14;
	s7 =	ssub.s32 s7, s8;
	s4 =	sadd.s32 s4, s9  }
0xb: {  	s8 =	simm.s32 $0x3;
	s9 =	simm.s32 $0x1;
	s7 =	smax.u32 s7, $0x1  }
.LBB2_1:
0xc: {  	[tilespmem:s2], [sflag:$0x3] =	stream.linear.gather [hbm4b:s4+s2], $0x2000, $0x38;
	[tilespmem:$0x1A000] =	vst v63  }
0xd: {  	_ =	swait.ge [sflag:s8], $0x2000  }
0xe: {  	s15 =	simm.s32 $0x1FAF;
	[sflag:s8] =	ssyncset.done $0x0  }
0xf: {  	s16 =	simm.s32 $0x2080;
	s17 =	simm.s32 $0x0;
	[sflag:s8] =	ssyncadd.s32 $0xFFFFE000  }
.LBB2_2:
0x10: {  	v0 =	vld [tilespmem:s15+$0xFFFFFFF0];
	_ =	sdelay $0x4  }
0x11: {  	[tilespmem:s16+$0xFFFFFF80] =	vst v0  }
0x12: {  	v0 =	vld [tilespmem:s15+$0x0];
	_ =	sdelay $0x4  }
0x13: {  	[tilespmem:s16+$0xFFFFFF90] =	vst v0  }
0x14: {  	v0 =	vld [tilespmem:s15+$0xFFFFFF70];
	_ =	sdelay $0x4  }
0x15: {  	[tilespmem:s16+$0xFFFFFFA0] =	vst v0  }
0x16: {  	v0 =	vld [tilespmem:s15+$0xFFFFFF80];
	_ =	sdelay $0x4  }
0x17: {  	[tilespmem:s16+$0xFFFFFFB0] =	vst v0  }
0x18: {  	v0 =	vld [tilespmem:s15+$0xFFFFFEF0];
	_ =	sdelay $0x4  }
0x19: {  	[tilespmem:s16+$0xFFFFFFC0] =	vst v0  }
0x1a: {  	v0 =	vld [tilespmem:s15+$0xFFFFFF00];
	_ =	sdelay $0x4  }
0x1b: {  	[tilespmem:s16+$0xFFFFFFD0] =	vst v0  }
0x1c: {  	v0 =	vld [tilespmem:s15+$0xFFFFFE70];
	_ =	sdelay $0x4  }
0x1d: {  	[tilespmem:s16+$0xFFFFFFE0] =	vst v0  }
0x1e: {  	v0 =	vld [tilespmem:s15+$0xFFFFFE80];
	_ =	sdelay $0x4  }
0x1f: {  	[tilespmem:s16+$0xFFFFFFF0] =	vst v0  }
0x20: {  	v0 =	vld [tilespmem:s15+$0xFFFFFDF0];
	_ =	sdelay $0x4  }
0x21: {  	[tilespmem:s16+$0x0] =	vst v0  }
0x22: {  	v0 =	vld [tilespmem:s15+$0xFFFFFE00];
	_ =	sdelay $0x4  }
0x23: {  	[tilespmem:s16+$0x10] =	vst v0  }
0x24: {  	v0 =	vld [tilespmem:s15+$0xFFFFFD70];
	_ =	sdelay $0x4  }
0x25: {  	[tilespmem:s16+$0x20] =	vst v0  }
0x26: {  	v0 =	vld [tilespmem:s15+$0xFFFFFD80];
	_ =	sdelay $0x4  }
0x27: {  	[tilespmem:s16+$0x30] =	vst v0  }
0x28: {  	v0 =	vld [tilespmem:s15+$0xFFFFFCF0];
	_ =	sdelay $0x4  }
0x29: {  	[tilespmem:s16+$0x40] =	vst v0  }
0x2a: {  	v0 =	vld [tilespmem:s15+$0xFFFFFD00];
	_ =	sdelay $0x4  }
0x2b: {  	[tilespmem:s16+$0x50] =	vst v0  }
0x2c: {  	v0 =	vld [tilespmem:s15+$0xFFFFFC70];
	_ =	sdelay $0x4  }
0x2d: {  	[tilespmem:s16+$0x60] =	vst v0  }
0x2e: {  	v0 =	vld [tilespmem:s15+$0xFFFFFC80];
	_ =	sdelay $0x3  }
0x2f: {  	s14 =	sshll.u32 s17, $0xD;
	s19 =	sadd.s32 $0xFFFFFC00, s15  }
0x30: {  	s20 =	smov.u32 s16;
	s18 =	sshra.s32 s14, $0x2;
	s14 =	simm.s32 $0x0;
	[tilespmem:s16+$0x70] =	vst v0  }
.LBB2_3:
0x31: {  	v0 =	vld [tilespmem:s19+$0xFFFFFFF0];
	s14 =	sadd.s32 $0x8, s14  }
0x32: {  	p0 =	slt.u32 s14, $0x38;
	_ =	sdelay $0x2  }
0x33: {  	s20 =	sadd.s32 $0x100, s20  }
0x34: {  	[tilespmem:s20+$0xFFFFFF80] =	vst v0  }
0x35: {  	v0 =	vld [tilespmem:s19+$0x0];
	_ =	sdelay $0x4  }
0x36: {  	[tilespmem:s20+$0xFFFFFF90] =	vst v0  }
0x37: {  	v0 =	vld [tilespmem:s19+$0xFFFFFF70];
	_ =	sdelay $0x4  }
0x38: {  	[tilespmem:s20+$0xFFFFFFA0] =	vst v0  }
0x39: {  	v0 =	vld [tilespmem:s19+$0xFFFFFF80];
	_ =	sdelay $0x4  }
0x3a: {  	[tilespmem:s20+$0xFFFFFFB0] =	vst v0  }
0x3b: {  	v0 =	vld [tilespmem:s19+$0xFFFFFEF0];
	_ =	sdelay $0x4  }
0x3c: {  	[tilespmem:s20+$0xFFFFFFC0] =	vst v0  }
0x3d: {  	v0 =	vld [tilespmem:s19+$0xFFFFFF00];
	_ =	sdelay $0x4  }
0x3e: {  	[tilespmem:s20+$0xFFFFFFD0] =	vst v0  }
0x3f: {  	v0 =	vld [tilespmem:s19+$0xFFFFFE70];
	_ =	sdelay $0x4  }
0x40: {  	[tilespmem:s20+$0xFFFFFFE0] =	vst v0  }
0x41: {  	v0 =	vld [tilespmem:s19+$0xFFFFFE80];
	_ =	sdelay $0x4  }
0x42: {  	[tilespmem:s20+$0xFFFFFFF0] =	vst v0  }
0x43: {  	v0 =	vld [tilespmem:s19+$0xFFFFFDF0];
	_ =	sdelay $0x4  }
0x44: {  	[tilespmem:s20+$0x0] =	vst v0  }
0x45: {  	v0 =	vld [tilespmem:s19+$0xFFFFFE00];
	_ =	sdelay $0x4  }
0x46: {  	[tilespmem:s20+$0x10] =	vst v0  }
0x47: {  	v0 =	vld [tilespmem:s19+$0xFFFFFD70];
	_ =	sdelay $0x4  }
0x48: {  	[tilespmem:s20+$0x20] =	vst v0  }
0x49: {  	v0 =	vld [tilespmem:s19+$0xFFFFFD80];
	_ =	sdelay $0x4  }
0x4a: {  	[tilespmem:s20+$0x30] =	vst v0  }
0x4b: {  	v0 =	vld [tilespmem:s19+$0xFFFFFCF0];
	_ =	sdelay $0x4  }
0x4c: {  	[tilespmem:s20+$0x40] =	vst v0  }
0x4d: {  	v0 =	vld [tilespmem:s19+$0xFFFFFD00];
	_ =	sdelay $0x4  }
0x4e: {  	[tilespmem:s20+$0x50] =	vst v0  }
0x4f: {  	v0 =	vld [tilespmem:s19+$0xFFFFFC70];
	_ =	sdelay $0x4  }
0x50: {  	[tilespmem:s20+$0x60] =	vst v0  }
0x51: {  	v0 =	vld [tilespmem:s19+$0xFFFFFC80]  }
.Ltmp0:
0x52: {  	(pc) =	sbr.rel @p0 .LBB2_3-.Ltmp0, $2  }
0x53: {  	_ =	sdelay $0x2  }
0x54: {  	s19 =	sadd.s32 $0xFFFFFC00, s19;
	[tilespmem:s20+$0x70] =	vst v0  }
0x55: {  	s14 =	sshll.u32 s17, $0xA  }
0x56: {  	s14 =	sor.u32 s5, s14  }
0x57: {  	s19 =	sshrl.u32 s14, $0x3  }
0x58: {  	s21 =	sadd.s32 $0x2400, s18;
	s14 =	simm.s32 $0x0;
	s20 =	sadd.s32 s3, s19  }
0x59: {  	[hbm4b:s20+s14] =	stream.linear.scatter [tilespmem:s21], [sflag:$0x1], $0x400, $0x38;
	[tilespmem:$0x1A000] =	vst v63  }
0x5a: {  	s22 =	sadd.s32 $0x23E0, s18;
	s21 =	sor.u32 $0x1000, s19  }
0x5b: {  	s24 =	sadd.s32 $0x23C0, s18;
	s23 =	sor.u32 $0x2000, s19;
	s20 =	sadd.s32 s3, s21  }
0x5c: {  	[hbm4b:s20+s14] =	stream.linear.scatter [tilespmem:s22], [sflag:$0x1], $0x400, $0x38;
	[tilespmem:$0x1A000] =	vst v63  }
0x5d: {  	s26 =	sadd.s32 $0x23A0, s18;
	s25 =	sor.u32 $0x3000, s19;
	s20 =	sadd.s32 s3, s23  }
0x5e: {  	[hbm4b:s20+s14] =	stream.linear.scatter [tilespmem:s24], [sflag:$0x1], $0x400, $0x38;
	[tilespmem:$0x1A000] =	vst v63  }
0x5f: {  	s29 =	sadd.s32 $0x2380, s18;
	s28 =	sor.u32 $0x4000, s19;
	s20 =	sadd.s32 s3, s25  }
0x60: {  	[hbm4b:s20+s14] =	stream.linear.scatter [tilespmem:s26], [sflag:$0x1], $0x400, $0x38;
	[tilespmem:$0x1A000] =	vst v63  }
0x61: {  	s31 =	sadd.s32 $0x2360, s18;
	s30 =	sor.u32 $0x5000, s19;
	s20 =	sadd.s32 s3, s28  }
0x62: {  	[hbm4b:s20+s14] =	stream.linear.scatter [tilespmem:s29], [sflag:$0x1], $0x400, $0x38;
	[tilespmem:$0x1A000] =	vst v63  }
0x63: {  	s17 =	sadd.s32 $0x1, s17;
	s21 =	sor.u32 $0x6000, s19;
	s20 =	sadd.s32 s3, s30  }
0x64: {  	[hbm4b:s20+s14] =	stream.linear.scatter [tilespmem:s31], [sflag:$0x1], $0x400, $0x38;
	[tilespmem:$0x1A000] =	vst v63  }
0x65: {  	s22 =	sadd.s32 $0x2340, s18;
	s23 =	sor.u32 $0x7000, s19;
	s20 =	sadd.s32 s3, s21  }
0x66: {  	[hbm4b:s20+s14] =	stream.linear.scatter [tilespmem:s22], [sflag:$0x1], $0x400, $0x38;
	[tilespmem:$0x1A000] =	vst v63  }
0x67: {  	s24 =	sadd.s32 $0x2320, s18;
	s25 =	sor.u32 $0x8000, s19;
	s20 =	sadd.s32 s3, s23  }
0x68: {  	[hbm4b:s20+s14] =	stream.linear.scatter [tilespmem:s24], [sflag:$0x1], $0x400, $0x38;
	[tilespmem:$0x1A000] =	vst v63  }
0x69: {  	s26 =	sadd.s32 $0x2300, s18;
	s28 =	sor.u32 $0x9000, s19;
	s20 =	sadd.s32 s3, s25  }
0x6a: {  	[hbm4b:s20+s14] =	stream.linear.scatter [tilespmem:s26], [sflag:$0x1], $0x400, $0x38;
	[tilespmem:$0x1A000] =	vst v63  }
0x6b: {  	s29 =	sadd.s32 $0x22E0, s18;
	s30 =	sor.u32 $0xA000, s19;
	s20 =	sadd.s32 s3, s28  }
0x6c: {  	[hbm4b:s20+s14] =	stream.linear.scatter [tilespmem:s29], [sflag:$0x1], $0x400, $0x38;
	[tilespmem:$0x1A000] =	vst v63  }
0x6d: {  	s31 =	sadd.s32 $0x22C0, s18;
	s22 =	sor.u32 $0xB000, s19;
	s20 =	sadd.s32 s3, s30  }
0x6e: {  	[hbm4b:s20+s14] =	stream.linear.scatter [tilespmem:s31], [sflag:$0x1], $0x400, $0x38;
	[tilespmem:$0x1A000] =	vst v63  }
0x6f: {  	s23 =	sadd.s32 $0x22A0, s18;
	s24 =	sor.u32 $0xC000, s19;
	s20 =	sadd.s32 s3, s22  }
0x70: {  	[hbm4b:s20+s14] =	stream.linear.scatter [tilespmem:s23], [sflag:$0x1], $0x400, $0x38;
	[tilespmem:$0x1A000] =	vst v63  }
0x71: {  	s25 =	sadd.s32 $0x2280, s18;
	s26 =	sor.u32 $0xD000, s19;
	s20 =	sadd.s32 s3, s24  }
0x72: {  	[hbm4b:s20+s14] =	stream.linear.scatter [tilespmem:s25], [sflag:$0x1], $0x400, $0x38;
	[tilespmem:$0x1A000] =	vst v63  }
0x73: {  	p0 =	seq.s32 s17, $0x20;
	s28 =	sadd.s32 $0x2260, s18;
	s20 =	sadd.s32 s3, s26  }
0x74: {  	[hbm4b:s20+s14] =	stream.linear.scatter [tilespmem:s28], [sflag:$0x1], $0x400, $0x38;
	[tilespmem:$0x1A000] =	vst v63  }
.Ltmp1:
0x75: {  	s15 =	sadd.s32 $0xFFFFFFFF, s15;
	s29 =	sor.u32 $0xE000, s19;
	(pc) =	sbr.rel @!p0 .LBB2_2-.Ltmp1, $4  }
0x76: {  	s30 =	sadd.s32 $0x2240, s18;
	s19 =	sor.u32 $0xF000, s19;
	s20 =	sadd.s32 s3, s29  }
0x77: {  	[hbm4b:s20+s14] =	stream.linear.scatter [tilespmem:s30], [sflag:$0x1], $0x400, $0x38;
	[tilespmem:$0x1A000] =	vst v63  }
0x78: {  	s16 =	sadd.s32 $0x800, s16;
	s19 =	sadd.s32 s3, s19;
	s31 =	sadd.s32 $0x2220, s18  }
0x79: {  	[hbm4b:s19+s14] =	stream.linear.scatter [tilespmem:s31], [sflag:$0x1], $0x400, $0x38;
	[tilespmem:$0x1A000] =	vst v63  }
.Ltmp2:
0x7a: {  	(pc) =	sbr.rel .LBB2_6-.Ltmp2, $3  }
0x7b: {  	_ =	sdelay $0x1  }
0x7c: {  	s15 =	simm.s32 $0x200  }
0x7d: {  	s16 =	simm.s32 $0x2310;
	p0 =	por $0x0, $0x0;
	s17 =	simm.s32 $0x0  }
.LBB2_13:
0x7e: {  	s17 =	sadd.s32 $0x1, s17  }
0x7f: {  	p1 =	sne.s32 s17, $0x20  }
.Ltmp3:
0x80: {  	_ = 	snop;
	(pc) =	sbr.rel @!p1 .LBB2_14-.Ltmp3, $3  }
0x81: {  	_ =	sdelay $0x1  }
0x82: {  	s14 =	sadd.s32 $0xFFFFFFF0, s14  }
0x83: {  	s15 =	sadd.s32 $0xFFFFFFF0, s15;
	s16 =	sadd.s32 $0xFFFFFFF0, s16;
	p0 =	por !p0, !p0  }
.LBB2_6:
0x84: {  	s18 =	sand.u32 $0x1, s17  }
0x85: {  	p2 =	seq.s32 s18, $0x1  }
.Ltmp4:
0x86: {  	p1 =	slt.u32 s17, $0x2;
	(pc) =	sbr.rel @p2 .LBB2_10-.Ltmp4, $4  }
0x87: {  	s19 =	simm.s32 @!p1 $0x2  }
0x88: {  	_ =	swait.ge @!p1 [sflag:s19], $0x4000  }
0x89: {  	[sflag:s19] =	ssyncset.done @!p1 $0x0  }
0x8a: {  	[sflag:s19] =	ssyncadd.s32 @!p1 $0xFFFFC000  }
0x8b: {  	s19 =	sand.u32 $0x3FFFFF80, s15  }
0x8c: {  	s31 =	sand.u32 $0x60, s14;
	s21 =	sadd.s32 $0x2000, s19  }
0x8d: {  	s19 =	sadd.s32 s31, s21  }
0x8e: {  	v0 =	vld [tilespmem:s19+$0x0];
	_ =	sdelay $0x3  }
0x8f: {  	s19 =	simm.s32 $0x12200  }
0x90: {  	[tilespmem:s19+$0xFFFFFE00] =	vst v0  }
0x91: {  	v0 =	vld [tilespmem:s16+$0xFFFFFF00];
	_ =	sdelay $0x4  }
0x92: {  	[tilespmem:s19+$0xFFFFFE10] =	vst v0  }
0x93: {  	v0 =	vld [tilespmem:s16+$0xFFFFFF10];
	_ =	sdelay $0x4  }
0x94: {  	[tilespmem:s19+$0xFFFFFE20] =	vst v0  }
0x95: {  	v0 =	vld [tilespmem:s16+$0xFFFFFF20];
	_ =	sdelay $0x4  }
0x96: {  	[tilespmem:s19+$0xFFFFFE30] =	vst v0  }
0x97: {  	v0 =	vld [tilespmem:s16+$0xFFFFFF30];
	_ =	sdelay $0x4  }
0x98: {  	[tilespmem:s19+$0xFFFFFE40] =	vst v0  }
0x99: {  	v0 =	vld [tilespmem:s16+$0xFFFFFF40];
	_ =	sdelay $0x4  }
0x9a: {  	[tilespmem:s19+$0xFFFFFE50] =	vst v0  }
0x9b: {  	v0 =	vld [tilespmem:s16+$0xFFFFFF50];
	_ =	sdelay $0x4  }
0x9c: {  	[tilespmem:s19+$0xFFFFFE60] =	vst v0  }
0x9d: {  	v0 =	vld [tilespmem:s16+$0xFFFFFF60];
	_ =	sdelay $0x3  }
0x9e: {  	s20 =	sadd.s32 $0x0, s14  }
0x9f: {  	s20 =	sand.u32 $0xFFFFFFE0, s20;
	[tilespmem:s19+$0xFFFFFE70] =	vst v0  }
0xa0: {  	v0 =	vld [tilespmem:s20+$0x2280];
	_ =	sdelay $0x4  }
0xa1: {  	[tilespmem:s19+$0xFFFFFE80] =	vst v0  }
0xa2: {  	v0 =	vld [tilespmem:s16+$0xFFFFFF80];
	_ =	sdelay $0x4  }
0xa3: {  	[tilespmem:s19+$0xFFFFFE90] =	vst v0  }
0xa4: {  	v0 =	vld [tilespmem:s16+$0xFFFFFF90];
	_ =	sdelay $0x4  }
0xa5: {  	[tilespmem:s19+$0xFFFFFEA0] =	vst v0  }
0xa6: {  	v0 =	vld [tilespmem:s16+$0xFFFFFFA0];
	_ =	sdelay $0x4  }
0xa7: {  	[tilespmem:s19+$0xFFFFFEB0] =	vst v0  }
0xa8: {  	v0 =	vld [tilespmem:s16+$0xFFFFFFB0];
	_ =	sdelay $0x4  }
0xa9: {  	[tilespmem:s19+$0xFFFFFEC0] =	vst v0  }
0xaa: {  	v0 =	vld [tilespmem:s16+$0xFFFFFFC0];
	_ =	sdelay $0x4  }
0xab: {  	[tilespmem:s19+$0xFFFFFED0] =	vst v0  }
0xac: {  	v0 =	vld [tilespmem:s16+$0xFFFFFFD0];
	_ =	sdelay $0x4  }
0xad: {  	[tilespmem:s19+$0xFFFFFEE0] =	vst v0  }
0xae: {  	v0 =	vld [tilespmem:s16+$0xFFFFFFE0];
	_ =	sdelay $0x4  }
0xaf: {  	[tilespmem:s19+$0xFFFFFEF0] =	vst v0  }
0xb0: {  	v0 =	vld [tilespmem:s20+$0x2300];
	_ =	sdelay $0x4  }
0xb1: {  	[tilespmem:s19+$0xFFFFFF00] =	vst v0  }
0xb2: {  	v0 =	vld [tilespmem:s16+$0x0];
	_ =	sdelay $0x4  }
0xb3: {  	[tilespmem:s19+$0xFFFFFF10] =	vst v0  }
0xb4: {  	v0 =	vld [tilespmem:s16+$0x10];
	_ =	sdelay $0x4  }
0xb5: {  	[tilespmem:s19+$0xFFFFFF20] =	vst v0  }
0xb6: {  	v0 =	vld [tilespmem:s16+$0x20];
	_ =	sdelay $0x4  }
0xb7: {  	[tilespmem:s19+$0xFFFFFF30] =	vst v0  }
0xb8: {  	v0 =	vld [tilespmem:s16+$0x30];
	_ =	sdelay $0x4  }
0xb9: {  	[tilespmem:s19+$0xFFFFFF40] =	vst v0  }
0xba: {  	v0 =	vld [tilespmem:s16+$0x40];
	_ =	sdelay $0x4  }
0xbb: {  	[tilespmem:s19+$0xFFFFFF50] =	vst v0  }
0xbc: {  	v0 =	vld [tilespmem:s16+$0x50];
	_ =	sdelay $0x4  }
0xbd: {  	[tilespmem:s19+$0xFFFFFF60] =	vst v0  }
0xbe: {  	v0 =	vld [tilespmem:s16+$0x60];
	_ =	sdelay $0x4  }
0xbf: {  	[tilespmem:s19+$0xFFFFFF70] =	vst v0  }
0xc0: {  	v0 =	vld [tilespmem:s20+$0x2380];
	_ =	sdelay $0x4  }
0xc1: {  	[tilespmem:s19+$0xFFFFFF80] =	vst v0  }
0xc2: {  	v0 =	vld [tilespmem:s16+$0x80];
	_ =	sdelay $0x4  }
0xc3: {  	[tilespmem:s19+$0xFFFFFF90] =	vst v0  }
0xc4: {  	v0 =	vld [tilespmem:s16+$0x90];
	_ =	sdelay $0x4  }
0xc5: {  	[tilespmem:s19+$0xFFFFFFA0] =	vst v0  }
0xc6: {  	v0 =	vld [tilespmem:s16+$0xA0];
	_ =	sdelay $0x4  }
0xc7: {  	[tilespmem:s19+$0xFFFFFFB0] =	vst v0  }
0xc8: {  	v0 =	vld [tilespmem:s16+$0xB0];
	_ =	sdelay $0x4  }
0xc9: {  	[tilespmem:s19+$0xFFFFFFC0] =	vst v0  }
0xca: {  	v0 =	vld [tilespmem:s16+$0xC0];
	_ =	sdelay $0x4  }
0xcb: {  	[tilespmem:s19+$0xFFFFFFD0] =	vst v0  }
0xcc: {  	v0 =	vld [tilespmem:s16+$0xD0];
	_ =	sdelay $0x4  }
0xcd: {  	[tilespmem:s19+$0xFFFFFFE0] =	vst v0  }
0xce: {  	v0 =	vld [tilespmem:s16+$0xE0];
	_ =	sdelay $0x4  }
0xcf: {  	[tilespmem:s19+$0xFFFFFFF0] =	vst v0  }
0xd0: {  	v0 =	vld [tilespmem:s20+$0x2400];
	_ =	sdelay $0x4  }
0xd1: {  	[tilespmem:s19+$0x0] =	vst v0  }
0xd2: {  	v0 =	vld [tilespmem:s16+$0x100];
	_ =	sdelay $0x4  }
0xd3: {  	[tilespmem:s19+$0x10] =	vst v0  }
0xd4: {  	v0 =	vld [tilespmem:s16+$0x110];
	_ =	sdelay $0x4  }
0xd5: {  	[tilespmem:s19+$0x20] =	vst v0  }
0xd6: {  	v0 =	vld [tilespmem:s16+$0x120];
	_ =	sdelay $0x4  }
0xd7: {  	[tilespmem:s19+$0x30] =	vst v0  }
0xd8: {  	v0 =	vld [tilespmem:s16+$0x130];
	_ =	sdelay $0x4  }
0xd9: {  	[tilespmem:s19+$0x40] =	vst v0  }
0xda: {  	v0 =	vld [tilespmem:s16+$0x140];
	_ =	sdelay $0x4  }
0xdb: {  	[tilespmem:s19+$0x50] =	vst v0  }
0xdc: {  	v0 =	vld [tilespmem:s16+$0x150];
	_ =	sdelay $0x4  }
0xdd: {  	[tilespmem:s19+$0x60] =	vst v0  }
0xde: {  	v0 =	vld [tilespmem:s16+$0x160];
	_ =	sdelay $0x4  }
0xdf: {  	[tilespmem:s19+$0x70] =	vst v0  }
0xe0: {  	v0 =	vld [tilespmem:s20+$0x2480];
	_ =	sdelay $0x4  }
0xe1: {  	[tilespmem:s19+$0x80] =	vst v0  }
0xe2: {  	v0 =	vld [tilespmem:s16+$0x180];
	_ =	sdelay $0x4  }
0xe3: {  	[tilespmem:s19+$0x90] =	vst v0  }
0xe4: {  	v0 =	vld [tilespmem:s16+$0x190];
	_ =	sdelay $0x4  }
0xe5: {  	[tilespmem:s19+$0xA0] =	vst v0  }
0xe6: {  	v0 =	vld [tilespmem:s16+$0x1A0];
	_ =	sdelay $0x4  }
0xe7: {  	[tilespmem:s19+$0xB0] =	vst v0  }
0xe8: {  	v0 =	vld [tilespmem:s16+$0x1B0];
	_ =	sdelay $0x4  }
0xe9: {  	[tilespmem:s19+$0xC0] =	vst v0  }
0xea: {  	v0 =	vld [tilespmem:s16+$0x1C0];
	_ =	sdelay $0x4  }
0xeb: {  	[tilespmem:s19+$0xD0] =	vst v0  }
0xec: {  	v0 =	vld [tilespmem:s16+$0x1D0];
	_ =	sdelay $0x4  }
0xed: {  	[tilespmem:s19+$0xE0] =	vst v0  }
0xee: {  	v0 =	vld [tilespmem:s16+$0x1E0];
	_ =	sdelay $0x4  }
0xef: {  	[tilespmem:s19+$0xF0] =	vst v0  }
0xf0: {  	v0 =	vld [tilespmem:s20+$0x2500];
	_ =	sdelay $0x4  }
0xf1: {  	[tilespmem:s19+$0x100] =	vst v0  }
0xf2: {  	v0 =	vld [tilespmem:s16+$0x200];
	_ =	sdelay $0x4  }
0xf3: {  	[tilespmem:s19+$0x110] =	vst v0  }
0xf4: {  	v0 =	vld [tilespmem:s16+$0x210];
	_ =	sdelay $0x4  }
0xf5: {  	[tilespmem:s19+$0x120] =	vst v0  }
0xf6: {  	v0 =	vld [tilespmem:s16+$0x220];
	_ =	sdelay $0x4  }
0xf7: {  	[tilespmem:s19+$0x130] =	vst v0  }
0xf8: {  	v0 =	vld [tilespmem:s16+$0x230];
	_ =	sdelay $0x4  }
0xf9: {  	[tilespmem:s19+$0x140] =	vst v0  }
0xfa: {  	v0 =	vld [tilespmem:s16+$0x240];
	_ =	sdelay $0x4  }
0xfb: {  	[tilespmem:s19+$0x150] =	vst v0  }
0xfc: {  	v0 =	vld [tilespmem:s16+$0x250];
	_ =	sdelay $0x4  }
0xfd: {  	[tilespmem:s19+$0x160] =	vst v0  }
0xfe: {  	v0 =	vld [tilespmem:s16+$0x260];
	_ =	sdelay $0x4  }
0xff: {  	[tilespmem:s19+$0x170] =	vst v0  }
0x100: {  	v0 =	vld [tilespmem:s20+$0x2580];
	_ =	sdelay $0x4  }
0x101: {  	[tilespmem:s19+$0x180] =	vst v0  }
0x102: {  	v0 =	vld [tilespmem:s16+$0x280];
	_ =	sdelay $0x4  }
0x103: {  	[tilespmem:s19+$0x190] =	vst v0  }
0x104: {  	v0 =	vld [tilespmem:s16+$0x290];
	_ =	sdelay $0x4  }
0x105: {  	[tilespmem:s19+$0x1A0] =	vst v0  }
0x106: {  	v0 =	vld [tilespmem:s16+$0x2A0];
	_ =	sdelay $0x4  }
0x107: {  	[tilespmem:s19+$0x1B0] =	vst v0  }
0x108: {  	v0 =	vld [tilespmem:s16+$0x2B0];
	_ =	sdelay $0x4  }
0x109: {  	[tilespmem:s19+$0x1C0] =	vst v0  }
0x10a: {  	v0 =	vld [tilespmem:s16+$0x2C0];
	_ =	sdelay $0x4  }
0x10b: {  	[tilespmem:s19+$0x1D0] =	vst v0  }
0x10c: {  	v0 =	vld [tilespmem:s16+$0x2D0];
	_ =	sdelay $0x4  }
0x10d: {  	[tilespmem:s19+$0x1E0] =	vst v0  }
0x10e: {  	v0 =	vld [tilespmem:s16+$0x2E0];
	_ =	sdelay $0x1  }
0x10f: {  	s22 =	sadd.s32 $0x800, s14  }
0x110: {  	s24 =	simm.s32 $0x1000;
	s25 =	sand.u32 $0x60, s22  }
0x111: {  	s23 =	sadd.s32 $0x800, s21;
	s21 =	smov.u32 s16;
	s20 =	simm.s32 $0x800  }
.LBB2_8:
0x112: {  	p1 =	sne.s32 s24, $0x7800;
	s25 =	sadd.s32 s25, s23;
	[tilespmem:s19+$0x1F0] =	vst v0  }
0x113: {  	v0 =	vld [tilespmem:s25+$0x0];
	_ =	sdelay $0x3  }
0x114: {  	s19 =	sadd.s32 $0x400, s19  }
0x115: {  	s21 =	sadd.s32 $0x800, s21;
	[tilespmem:s19+$0xFFFFFE00] =	vst v0  }
0x116: {  	v0 =	vld [tilespmem:s21+$0xFFFFFF00];
	_ =	sdelay $0x4  }
0x117: {  	[tilespmem:s19+$0xFFFFFE10] =	vst v0  }
0x118: {  	v0 =	vld [tilespmem:s21+$0xFFFFFF10];
	_ =	sdelay $0x4  }
0x119: {  	[tilespmem:s19+$0xFFFFFE20] =	vst v0  }
0x11a: {  	v0 =	vld [tilespmem:s21+$0xFFFFFF20];
	_ =	sdelay $0x4  }
0x11b: {  	[tilespmem:s19+$0xFFFFFE30] =	vst v0  }
0x11c: {  	v0 =	vld [tilespmem:s21+$0xFFFFFF30];
	_ =	sdelay $0x4  }
0x11d: {  	[tilespmem:s19+$0xFFFFFE40] =	vst v0  }
0x11e: {  	v0 =	vld [tilespmem:s21+$0xFFFFFF40];
	_ =	sdelay $0x4  }
0x11f: {  	[tilespmem:s19+$0xFFFFFE50] =	vst v0  }
0x120: {  	v0 =	vld [tilespmem:s21+$0xFFFFFF50];
	_ =	sdelay $0x4  }
0x121: {  	[tilespmem:s19+$0xFFFFFE60] =	vst v0  }
0x122: {  	v0 =	vld [tilespmem:s21+$0xFFFFFF60];
	_ =	sdelay $0x3  }
0x123: {  	s25 =	sadd.s32 s20, s14;
	s20 =	smov.u32 s24  }
0x124: {  	s25 =	sand.u32 $0xFFFFFFE0, s25;
	[tilespmem:s19+$0xFFFFFE70] =	vst v0  }
0x125: {  	v0 =	vld [tilespmem:s25+$0x2280];
	_ =	sdelay $0x4  }
0x126: {  	[tilespmem:s19+$0xFFFFFE80] =	vst v0  }
0x127: {  	v0 =	vld [tilespmem:s21+$0xFFFFFF80];
	_ =	sdelay $0x4  }
0x128: {  	[tilespmem:s19+$0xFFFFFE90] =	vst v0  }
0x129: {  	v0 =	vld [tilespmem:s21+$0xFFFFFF90];
	_ =	sdelay $0x4  }
0x12a: {  	[tilespmem:s19+$0xFFFFFEA0] =	vst v0  }
0x12b: {  	v0 =	vld [tilespmem:s21+$0xFFFFFFA0];
	_ =	sdelay $0x4  }
0x12c: {  	[tilespmem:s19+$0xFFFFFEB0] =	vst v0  }
0x12d: {  	v0 =	vld [tilespmem:s21+$0xFFFFFFB0];
	_ =	sdelay $0x4  }
0x12e: {  	[tilespmem:s19+$0xFFFFFEC0] =	vst v0  }
0x12f: {  	v0 =	vld [tilespmem:s21+$0xFFFFFFC0];
	_ =	sdelay $0x4  }
0x130: {  	[tilespmem:s19+$0xFFFFFED0] =	vst v0  }
0x131: {  	v0 =	vld [tilespmem:s21+$0xFFFFFFD0];
	_ =	sdelay $0x4  }
0x132: {  	[tilespmem:s19+$0xFFFFFEE0] =	vst v0  }
0x133: {  	v0 =	vld [tilespmem:s21+$0xFFFFFFE0];
	_ =	sdelay $0x4  }
0x134: {  	[tilespmem:s19+$0xFFFFFEF0] =	vst v0  }
0x135: {  	v0 =	vld [tilespmem:s25+$0x2300];
	_ =	sdelay $0x4  }
0x136: {  	[tilespmem:s19+$0xFFFFFF00] =	vst v0  }
0x137: {  	v0 =	vld [tilespmem:s21+$0x0];
	_ =	sdelay $0x4  }
0x138: {  	[tilespmem:s19+$0xFFFFFF10] =	vst v0  }
0x139: {  	v0 =	vld [tilespmem:s21+$0x10];
	_ =	sdelay $0x4  }
0x13a: {  	[tilespmem:s19+$0xFFFFFF20] =	vst v0  }
0x13b: {  	v0 =	vld [tilespmem:s21+$0x20];
	_ =	sdelay $0x4  }
0x13c: {  	[tilespmem:s19+$0xFFFFFF30] =	vst v0  }
0x13d: {  	v0 =	vld [tilespmem:s21+$0x30];
	_ =	sdelay $0x4  }
0x13e: {  	[tilespmem:s19+$0xFFFFFF40] =	vst v0  }
0x13f: {  	v0 =	vld [tilespmem:s21+$0x40];
	_ =	sdelay $0x4  }
0x140: {  	[tilespmem:s19+$0xFFFFFF50] =	vst v0  }
0x141: {  	v0 =	vld [tilespmem:s21+$0x50];
	_ =	sdelay $0x4  }
0x142: {  	[tilespmem:s19+$0xFFFFFF60] =	vst v0  }
0x143: {  	v0 =	vld [tilespmem:s21+$0x60];
	_ =	sdelay $0x4  }
0x144: {  	[tilespmem:s19+$0xFFFFFF70] =	vst v0  }
0x145: {  	v0 =	vld [tilespmem:s25+$0x2380];
	_ =	sdelay $0x4  }
0x146: {  	[tilespmem:s19+$0xFFFFFF80] =	vst v0  }
0x147: {  	v0 =	vld [tilespmem:s21+$0x80];
	_ =	sdelay $0x4  }
0x148: {  	[tilespmem:s19+$0xFFFFFF90] =	vst v0  }
0x149: {  	v0 =	vld [tilespmem:s21+$0x90];
	_ =	sdelay $0x4  }
0x14a: {  	[tilespmem:s19+$0xFFFFFFA0] =	vst v0  }
0x14b: {  	v0 =	vld [tilespmem:s21+$0xA0];
	_ =	sdelay $0x4  }
0x14c: {  	[tilespmem:s19+$0xFFFFFFB0] =	vst v0  }
0x14d: {  	v0 =	vld [tilespmem:s21+$0xB0];
	_ =	sdelay $0x4  }
0x14e: {  	[tilespmem:s19+$0xFFFFFFC0] =	vst v0  }
0x14f: {  	v0 =	vld [tilespmem:s21+$0xC0];
	_ =	sdelay $0x4  }
0x150: {  	[tilespmem:s19+$0xFFFFFFD0] =	vst v0  }
0x151: {  	v0 =	vld [tilespmem:s21+$0xD0];
	_ =	sdelay $0x4  }
0x152: {  	[tilespmem:s19+$0xFFFFFFE0] =	vst v0  }
0x153: {  	v0 =	vld [tilespmem:s21+$0xE0];
	_ =	sdelay $0x4  }
0x154: {  	[tilespmem:s19+$0xFFFFFFF0] =	vst v0  }
0x155: {  	v0 =	vld [tilespmem:s25+$0x2400];
	_ =	sdelay $0x4  }
0x156: {  	[tilespmem:s19+$0x0] =	vst v0  }
0x157: {  	v0 =	vld [tilespmem:s21+$0x100];
	_ =	sdelay $0x4  }
0x158: {  	[tilespmem:s19+$0x10] =	vst v0  }
0x159: {  	v0 =	vld [tilespmem:s21+$0x110];
	_ =	sdelay $0x4  }
0x15a: {  	[tilespmem:s19+$0x20] =	vst v0  }
0x15b: {  	v0 =	vld [tilespmem:s21+$0x120];
	_ =	sdelay $0x4  }
0x15c: {  	[tilespmem:s19+$0x30] =	vst v0  }
0x15d: {  	v0 =	vld [tilespmem:s21+$0x130];
	_ =	sdelay $0x4  }
0x15e: {  	[tilespmem:s19+$0x40] =	vst v0  }
0x15f: {  	v0 =	vld [tilespmem:s21+$0x140];
	_ =	sdelay $0x4  }
0x160: {  	[tilespmem:s19+$0x50] =	vst v0  }
0x161: {  	v0 =	vld [tilespmem:s21+$0x150];
	_ =	sdelay $0x4  }
0x162: {  	[tilespmem:s19+$0x60] =	vst v0  }
0x163: {  	v0 =	vld [tilespmem:s21+$0x160];
	_ =	sdelay $0x4  }
0x164: {  	[tilespmem:s19+$0x70] =	vst v0  }
0x165: {  	v0 =	vld [tilespmem:s25+$0x2480];
	_ =	sdelay $0x4  }
0x166: {  	[tilespmem:s19+$0x80] =	vst v0  }
0x167: {  	v0 =	vld [tilespmem:s21+$0x180];
	_ =	sdelay $0x4  }
0x168: {  	[tilespmem:s19+$0x90] =	vst v0  }
0x169: {  	v0 =	vld [tilespmem:s21+$0x190];
	_ =	sdelay $0x4  }
0x16a: {  	[tilespmem:s19+$0xA0] =	vst v0  }
0x16b: {  	v0 =	vld [tilespmem:s21+$0x1A0];
	_ =	sdelay $0x4  }
0x16c: {  	[tilespmem:s19+$0xB0] =	vst v0  }
0x16d: {  	v0 =	vld [tilespmem:s21+$0x1B0];
	_ =	sdelay $0x4  }
0x16e: {  	[tilespmem:s19+$0xC0] =	vst v0  }
0x16f: {  	v0 =	vld [tilespmem:s21+$0x1C0];
	_ =	sdelay $0x4  }
0x170: {  	[tilespmem:s19+$0xD0] =	vst v0  }
0x171: {  	v0 =	vld [tilespmem:s21+$0x1D0];
	_ =	sdelay $0x4  }
0x172: {  	[tilespmem:s19+$0xE0] =	vst v0  }
0x173: {  	v0 =	vld [tilespmem:s21+$0x1E0];
	_ =	sdelay $0x4  }
0x174: {  	[tilespmem:s19+$0xF0] =	vst v0  }
0x175: {  	v0 =	vld [tilespmem:s25+$0x2500];
	_ =	sdelay $0x4  }
0x176: {  	[tilespmem:s19+$0x100] =	vst v0  }
0x177: {  	v0 =	vld [tilespmem:s21+$0x200];
	_ =	sdelay $0x4  }
0x178: {  	[tilespmem:s19+$0x110] =	vst v0  }
0x179: {  	v0 =	vld [tilespmem:s21+$0x210];
	_ =	sdelay $0x4  }
0x17a: {  	[tilespmem:s19+$0x120] =	vst v0  }
0x17b: {  	v0 =	vld [tilespmem:s21+$0x220];
	_ =	sdelay $0x4  }
0x17c: {  	[tilespmem:s19+$0x130] =	vst v0  }
0x17d: {  	v0 =	vld [tilespmem:s21+$0x230];
	_ =	sdelay $0x4  }
0x17e: {  	[tilespmem:s19+$0x140] =	vst v0  }
0x17f: {  	v0 =	vld [tilespmem:s21+$0x240];
	_ =	sdelay $0x4  }
0x180: {  	[tilespmem:s19+$0x150] =	vst v0  }
0x181: {  	v0 =	vld [tilespmem:s21+$0x250];
	_ =	sdelay $0x4  }
0x182: {  	[tilespmem:s19+$0x160] =	vst v0  }
0x183: {  	v0 =	vld [tilespmem:s21+$0x260];
	_ =	sdelay $0x4  }
0x184: {  	[tilespmem:s19+$0x170] =	vst v0  }
0x185: {  	v0 =	vld [tilespmem:s25+$0x2580];
	_ =	sdelay $0x4  }
0x186: {  	[tilespmem:s19+$0x180] =	vst v0  }
0x187: {  	v0 =	vld [tilespmem:s21+$0x280];
	_ =	sdelay $0x4  }
0x188: {  	[tilespmem:s19+$0x190] =	vst v0  }
0x189: {  	v0 =	vld [tilespmem:s21+$0x290];
	_ =	sdelay $0x4  }
0x18a: {  	[tilespmem:s19+$0x1A0] =	vst v0  }
0x18b: {  	v0 =	vld [tilespmem:s21+$0x2A0];
	_ =	sdelay $0x4  }
0x18c: {  	[tilespmem:s19+$0x1B0] =	vst v0  }
0x18d: {  	v0 =	vld [tilespmem:s21+$0x2B0];
	_ =	sdelay $0x4  }
0x18e: {  	[tilespmem:s19+$0x1C0] =	vst v0  }
0x18f: {  	v0 =	vld [tilespmem:s21+$0x2C0];
	_ =	sdelay $0x4  }
0x190: {  	[tilespmem:s19+$0x1D0] =	vst v0  }
0x191: {  	v0 =	vld [tilespmem:s21+$0x2D0];
	_ =	sdelay $0x4  }
0x192: {  	[tilespmem:s19+$0x1E0] =	vst v0  }
.Ltmp5:
0x193: {  	v0 =	vld [tilespmem:s21+$0x2E0];
	(pc) =	sbr.rel @p1 .LBB2_8-.Ltmp5, $3  }
0x194: {  	_ =	sdelay $0x1  }
0x195: {  	s22 =	sadd.s32 $0x800, s22  }
0x196: {  	s23 =	sadd.s32 $0x800, s23;
	s24 =	sadd.s32 $0x800, s24;
	s25 =	sand.u32 $0x60, s22  }
0x197: {  	s22 =	sadd.s32 s25, s23;
	[tilespmem:s19+$0x1F0] =	vst v0  }
0x198: {  	v0 =	vld [tilespmem:s22+$0x0];
	_ =	sdelay $0x3  }
0x199: {  	s29 =	sadd.s32 $0x400, s19  }
0x19a: {  	s21 =	sadd.s32 $0x800, s21;
	[tilespmem:s29+$0xFFFFFE00] =	vst v0  }
0x19b: {  	v0 =	vld [tilespmem:s21+$0xFFFFFF00];
	_ =	sdelay $0x4  }
0x19c: {  	[tilespmem:s29+$0xFFFFFE10] =	vst v0  }
0x19d: {  	v0 =	vld [tilespmem:s21+$0xFFFFFF10];
	_ =	sdelay $0x4  }
0x19e: {  	[tilespmem:s29+$0xFFFFFE20] =	vst v0  }
0x19f: {  	v0 =	vld [tilespmem:s21+$0xFFFFFF20];
	_ =	sdelay $0x4  }
0x1a0: {  	[tilespmem:s29+$0xFFFFFE30] =	vst v0  }
0x1a1: {  	v0 =	vld [tilespmem:s21+$0xFFFFFF30];
	_ =	sdelay $0x4  }
0x1a2: {  	[tilespmem:s29+$0xFFFFFE40] =	vst v0  }
0x1a3: {  	v0 =	vld [tilespmem:s21+$0xFFFFFF40];
	_ =	sdelay $0x4  }
0x1a4: {  	[tilespmem:s29+$0xFFFFFE50] =	vst v0  }
0x1a5: {  	v0 =	vld [tilespmem:s21+$0xFFFFFF50];
	_ =	sdelay $0x4  }
0x1a6: {  	[tilespmem:s29+$0xFFFFFE60] =	vst v0  }
0x1a7: {  	v0 =	vld [tilespmem:s21+$0xFFFFFF60];
	_ =	sdelay $0x3  }
0x1a8: {  	s20 =	sadd.s32 s20, s14  }
0x1a9: {  	s20 =	sand.u32 $0xFFFFFFE0, s20;
	[tilespmem:s29+$0xFFFFFE70] =	vst v0  }
0x1aa: {  	v0 =	vld [tilespmem:s20+$0x2280];
	_ =	sdelay $0x4  }
0x1ab: {  	[tilespmem:s29+$0xFFFFFE80] =	vst v0  }
0x1ac: {  	v0 =	vld [tilespmem:s21+$0xFFFFFF80];
	_ =	sdelay $0x4  }
0x1ad: {  	[tilespmem:s29+$0xFFFFFE90] =	vst v0  }
0x1ae: {  	v0 =	vld [tilespmem:s21+$0xFFFFFF90];
	_ =	sdelay $0x4  }
0x1af: {  	[tilespmem:s29+$0xFFFFFEA0] =	vst v0  }
0x1b0: {  	v0 =	vld [tilespmem:s21+$0xFFFFFFA0];
	_ =	sdelay $0x4  }
0x1b1: {  	[tilespmem:s29+$0xFFFFFEB0] =	vst v0  }
0x1b2: {  	v0 =	vld [tilespmem:s21+$0xFFFFFFB0];
	_ =	sdelay $0x4  }
0x1b3: {  	[tilespmem:s29+$0xFFFFFEC0] =	vst v0  }
0x1b4: {  	v0 =	vld [tilespmem:s21+$0xFFFFFFC0];
	_ =	sdelay $0x4  }
0x1b5: {  	[tilespmem:s29+$0xFFFFFED0] =	vst v0  }
0x1b6: {  	v0 =	vld [tilespmem:s21+$0xFFFFFFD0];
	_ =	sdelay $0x4  }
0x1b7: {  	[tilespmem:s29+$0xFFFFFEE0] =	vst v0  }
0x1b8: {  	v0 =	vld [tilespmem:s21+$0xFFFFFFE0];
	_ =	sdelay $0x4  }
0x1b9: {  	[tilespmem:s29+$0xFFFFFEF0] =	vst v0  }
0x1ba: {  	v0 =	vld [tilespmem:s20+$0x2300];
	_ =	sdelay $0x4  }
0x1bb: {  	[tilespmem:s29+$0xFFFFFF00] =	vst v0  }
0x1bc: {  	v0 =	vld [tilespmem:s21+$0x0];
	_ =	sdelay $0x4  }
0x1bd: {  	[tilespmem:s29+$0xFFFFFF10] =	vst v0  }
0x1be: {  	v0 =	vld [tilespmem:s21+$0x10];
	_ =	sdelay $0x4  }
0x1bf: {  	[tilespmem:s29+$0xFFFFFF20] =	vst v0  }
0x1c0: {  	v0 =	vld [tilespmem:s21+$0x20];
	_ =	sdelay $0x4  }
0x1c1: {  	[tilespmem:s29+$0xFFFFFF30] =	vst v0  }
0x1c2: {  	v0 =	vld [tilespmem:s21+$0x30];
	_ =	sdelay $0x4  }
0x1c3: {  	[tilespmem:s29+$0xFFFFFF40] =	vst v0  }
0x1c4: {  	v0 =	vld [tilespmem:s21+$0x40];
	_ =	sdelay $0x4  }
0x1c5: {  	[tilespmem:s29+$0xFFFFFF50] =	vst v0  }
0x1c6: {  	v0 =	vld [tilespmem:s21+$0x50];
	_ =	sdelay $0x4  }
0x1c7: {  	[tilespmem:s29+$0xFFFFFF60] =	vst v0  }
0x1c8: {  	v0 =	vld [tilespmem:s21+$0x60];
	_ =	sdelay $0x4  }
0x1c9: {  	[tilespmem:s29+$0xFFFFFF70] =	vst v0  }
0x1ca: {  	v0 =	vld [tilespmem:s20+$0x2380];
	_ =	sdelay $0x4  }
0x1cb: {  	[tilespmem:s29+$0xFFFFFF80] =	vst v0  }
0x1cc: {  	v0 =	vld [tilespmem:s21+$0x80];
	_ =	sdelay $0x4  }
0x1cd: {  	[tilespmem:s29+$0xFFFFFF90] =	vst v0  }
0x1ce: {  	v0 =	vld [tilespmem:s21+$0x90];
	_ =	sdelay $0x4  }
0x1cf: {  	[tilespmem:s29+$0xFFFFFFA0] =	vst v0  }
0x1d0: {  	v0 =	vld [tilespmem:s21+$0xA0];
	_ =	sdelay $0x4  }
0x1d1: {  	[tilespmem:s29+$0xFFFFFFB0] =	vst v0  }
0x1d2: {  	v0 =	vld [tilespmem:s21+$0xB0];
	_ =	sdelay $0x4  }
0x1d3: {  	[tilespmem:s29+$0xFFFFFFC0] =	vst v0  }
0x1d4: {  	v0 =	vld [tilespmem:s21+$0xC0];
	_ =	sdelay $0x4  }
0x1d5: {  	[tilespmem:s29+$0xFFFFFFD0] =	vst v0  }
0x1d6: {  	v0 =	vld [tilespmem:s21+$0xD0];
	_ =	sdelay $0x4  }
0x1d7: {  	[tilespmem:s29+$0xFFFFFFE0] =	vst v0  }
0x1d8: {  	v0 =	vld [tilespmem:s21+$0xE0];
	_ =	sdelay $0x4  }
0x1d9: {  	[tilespmem:s29+$0xFFFFFFF0] =	vst v0  }
0x1da: {  	v0 =	vld [tilespmem:s20+$0x2400];
	_ =	sdelay $0x4  }
0x1db: {  	[tilespmem:s29+$0x0] =	vst v0  }
0x1dc: {  	v0 =	vld [tilespmem:s21+$0x100];
	_ =	sdelay $0x4  }
0x1dd: {  	[tilespmem:s29+$0x10] =	vst v0  }
0x1de: {  	v0 =	vld [tilespmem:s21+$0x110];
	_ =	sdelay $0x4  }
0x1df: {  	[tilespmem:s29+$0x20] =	vst v0  }
0x1e0: {  	v0 =	vld [tilespmem:s21+$0x120];
	_ =	sdelay $0x4  }
0x1e1: {  	[tilespmem:s29+$0x30] =	vst v0  }
0x1e2: {  	v0 =	vld [tilespmem:s21+$0x130];
	_ =	sdelay $0x4  }
0x1e3: {  	[tilespmem:s29+$0x40] =	vst v0  }
0x1e4: {  	v0 =	vld [tilespmem:s21+$0x140];
	_ =	sdelay $0x4  }
0x1e5: {  	[tilespmem:s29+$0x50] =	vst v0  }
0x1e6: {  	v0 =	vld [tilespmem:s21+$0x150];
	_ =	sdelay $0x4  }
0x1e7: {  	[tilespmem:s29+$0x60] =	vst v0  }
0x1e8: {  	v0 =	vld [tilespmem:s21+$0x160];
	_ =	sdelay $0x4  }
0x1e9: {  	[tilespmem:s29+$0x70] =	vst v0  }
0x1ea: {  	v0 =	vld [tilespmem:s20+$0x2480];
	_ =	sdelay $0x4  }
0x1eb: {  	[tilespmem:s29+$0x80] =	vst v0  }
0x1ec: {  	v0 =	vld [tilespmem:s21+$0x180];
	_ =	sdelay $0x4  }
0x1ed: {  	[tilespmem:s29+$0x90] =	vst v0  }
0x1ee: {  	v0 =	vld [tilespmem:s21+$0x190];
	_ =	sdelay $0x4  }
0x1ef: {  	[tilespmem:s29+$0xA0] =	vst v0  }
0x1f0: {  	v0 =	vld [tilespmem:s21+$0x1A0];
	_ =	sdelay $0x4  }
0x1f1: {  	[tilespmem:s29+$0xB0] =	vst v0  }
0x1f2: {  	v0 =	vld [tilespmem:s21+$0x1B0];
	_ =	sdelay $0x4  }
0x1f3: {  	[tilespmem:s29+$0xC0] =	vst v0  }
0x1f4: {  	v0 =	vld [tilespmem:s21+$0x1C0];
	_ =	sdelay $0x4  }
0x1f5: {  	[tilespmem:s29+$0xD0] =	vst v0  }
0x1f6: {  	v0 =	vld [tilespmem:s21+$0x1D0];
	_ =	sdelay $0x4  }
0x1f7: {  	[tilespmem:s29+$0xE0] =	vst v0  }
0x1f8: {  	v0 =	vld [tilespmem:s21+$0x1E0];
	_ =	sdelay $0x4  }
0x1f9: {  	[tilespmem:s29+$0xF0] =	vst v0  }
0x1fa: {  	v0 =	vld [tilespmem:s20+$0x2500];
	_ =	sdelay $0x4  }
0x1fb: {  	[tilespmem:s29+$0x100] =	vst v0  }
0x1fc: {  	v0 =	vld [tilespmem:s21+$0x200];
	_ =	sdelay $0x4  }
0x1fd: {  	[tilespmem:s29+$0x110] =	vst v0  }
0x1fe: {  	v0 =	vld [tilespmem:s21+$0x210];
	_ =	sdelay $0x4  }
0x1ff: {  	[tilespmem:s29+$0x120] =	vst v0  }
0x200: {  	v0 =	vld [tilespmem:s21+$0x220];
	_ =	sdelay $0x4  }
0x201: {  	[tilespmem:s29+$0x130] =	vst v0  }
0x202: {  	v0 =	vld [tilespmem:s21+$0x230];
	_ =	sdelay $0x4  }
0x203: {  	[tilespmem:s29+$0x140] =	vst v0  }
0x204: {  	v0 =	vld [tilespmem:s21+$0x240];
	_ =	sdelay $0x4  }
0x205: {  	[tilespmem:s29+$0x150] =	vst v0  }
0x206: {  	v0 =	vld [tilespmem:s21+$0x250];
	_ =	sdelay $0x4  }
0x207: {  	[tilespmem:s29+$0x160] =	vst v0  }
0x208: {  	v0 =	vld [tilespmem:s21+$0x260];
	_ =	sdelay $0x4  }
0x209: {  	[tilespmem:s29+$0x170] =	vst v0  }
0x20a: {  	v0 =	vld [tilespmem:s20+$0x2580];
	_ =	sdelay $0x4  }
0x20b: {  	[tilespmem:s29+$0x180] =	vst v0  }
0x20c: {  	v0 =	vld [tilespmem:s21+$0x280];
	_ =	sdelay $0x4  }
0x20d: {  	[tilespmem:s29+$0x190] =	vst v0  }
0x20e: {  	v0 =	vld [tilespmem:s21+$0x290];
	_ =	sdelay $0x4  }
0x20f: {  	[tilespmem:s29+$0x1A0] =	vst v0  }
0x210: {  	v0 =	vld [tilespmem:s21+$0x2A0];
	_ =	sdelay $0x4  }
0x211: {  	[tilespmem:s29+$0x1B0] =	vst v0  }
0x212: {  	v0 =	vld [tilespmem:s21+$0x2B0];
	_ =	sdelay $0x4  }
0x213: {  	[tilespmem:s29+$0x1C0] =	vst v0  }
0x214: {  	v0 =	vld [tilespmem:s21+$0x2C0];
	_ =	sdelay $0x4  }
0x215: {  	[tilespmem:s29+$0x1D0] =	vst v0  }
0x216: {  	v0 =	vld [tilespmem:s21+$0x2D0];
	_ =	sdelay $0x4  }
0x217: {  	[tilespmem:s29+$0x1E0] =	vst v0  }
0x218: {  	v0 =	vld [tilespmem:s21+$0x2E0]  }
0x219: {  	p1 =	seq.s32 s18, $0x0  }
.Ltmp6:
0x21a: {  	s30 =	sshll.u32 s17, $0xE;
	(pc) =	sbr.rel @p1 .LBB2_13-.Ltmp6, $4  }
0x21b: {  	s20 =	sadd.s32 s5, s30  }
0x21c: {  	s20 =	sshrl.u32 s20, $0x3  }
0x21d: {  	s31 =	sadd.s32 s20, s6;
	[tilespmem:s29+$0x1F0] =	vst v0  }
0x21e: {  	[hbm4b:s31+s2] =	stream.linear.scatter [tilespmem:s12], [sflag:$0x2], $0x4000, $0x38;
	[tilespmem:$0x1A000] =	vst v63  }
.LBB2_10:
0x21f: {  	s21 =	simm.s32 $0x1  }
0x220: {  	s19 =	sshrl.u32 s17, $0x1;
	s21 =	simm.s32 @!p0 $0x0  }
0x221: {  	s23 =	sshll.u32 s19, $0x5;
	s20 =	sshll.u32 s21, $0xF  }
0x222: {  	s20 =	ssub.s32 s20, s23  }
0x223: {  	s22 =	sshll.u32 s20, $0x2  }
0x224: {  	s24 =	sadd.s32 $0x800, s22  }
0x225: {  	s22 =	sand.u32 $0x180, s22;
	s24 =	sand.u32 $0xFFFFFE00, s24  }
0x226: {  	s22 =	sor.u32 s22, s24  }
0x227: {  	s22 =	sshrl.u32 s22, $0x2  }
0x228: {  	s22 =	sadd.s32 $0x2000, s22  }
0x229: {  	v2 =	vmov s22;
	_ =	sdelay $0x1  }
0x22a: {  	s29 =	sshll.u32 s19, $0x7;
	s21 =	sshll.u32 s21, $0x11  }
0x22b: {  	s21 =	ssub.s32 s21, s29  }
0x22c: {  	s30 =	simm.s32 $0x0;
	s21 =	sshra.s32 s21, $0x2  }
0x22d: {  	s21 =	sadd.s32 $0x2310, s21;
	v1 =	vld.idx.msk [tilespmem:v2+s30+$0x0 ss:$0x1], $0xffff  }
0x22e: {  	v0 =	vmov s21;
	_ =	sdelay $0x2  }
0x22f: {  	s21 =	simm.s32 $0x16200  }
0x230: {  	[tilespmem:s21+$0xFFFFFE00] =	vst v1  }
0x231: {  	v1 =	vld.idx.msk [tilespmem:v0+s30+$0xFFFFFF00 ss:$0x1], $0xffff;
	_ =	sdelay $0x4  }
0x232: {  	[tilespmem:s21+$0xFFFFFE10] =	vst v1  }
0x233: {  	v1 =	vld.idx.msk [tilespmem:v0+s30+$0xFFFFFF10 ss:$0x1], $0xffff;
	_ =	sdelay $0x4  }
0x234: {  	[tilespmem:s21+$0xFFFFFE20] =	vst v1  }
0x235: {  	v1 =	vld.idx.msk [tilespmem:v0+s30+$0xFFFFFF20 ss:$0x1], $0xffff;
	_ =	sdelay $0x4  }
0x236: {  	[tilespmem:s21+$0xFFFFFE30] =	vst v1  }
0x237: {  	v1 =	vld.idx.msk [tilespmem:v0+s30+$0xFFFFFF30 ss:$0x1], $0xffff;
	_ =	sdelay $0x4  }
0x238: {  	[tilespmem:s21+$0xFFFFFE40] =	vst v1  }
0x239: {  	v1 =	vld.idx.msk [tilespmem:v0+s30+$0xFFFFFF40 ss:$0x1], $0xffff;
	_ =	sdelay $0x4  }
0x23a: {  	[tilespmem:s21+$0xFFFFFE50] =	vst v1  }
0x23b: {  	v1 =	vld.idx.msk [tilespmem:v0+s30+$0xFFFFFF50 ss:$0x1], $0xffff;
	_ =	sdelay $0x3  }
0x23c: {  	s23 =	ssub.s32 $0x0, s23  }
0x23d: {  	s23 =	sand.u32 $0x60, s23;
	[tilespmem:s21+$0xFFFFFE60] =	vst v1  }
0x23e: {  	s23 =	sor.u32 $0x2000, s23;
	v3 =	vld.idx.msk [tilespmem:v0+s30+$0xFFFFFF60 ss:$0x1], $0xffff  }
0x23f: {  	v1 =	vmov s23;
	_ =	sdelay $0x3  }
0x240: {  	s31 =	sand.u32 $0xFFFFFF80, s20;
	[tilespmem:s21+$0xFFFFFE70] =	vst v3  }
0x241: {  	v3 =	vld.idx.msk [tilespmem:v1+s31+$0x280 ss:$0x1], $0xffff;
	_ =	sdelay $0x4  }
0x242: {  	[tilespmem:s21+$0xFFFFFE80] =	vst v3  }
0x243: {  	v3 =	vld.idx.msk [tilespmem:v0+s30+$0xFFFFFF80 ss:$0x1], $0xffff;
	_ =	sdelay $0x4  }
0x244: {  	[tilespmem:s21+$0xFFFFFE90] =	vst v3  }
0x245: {  	v3 =	vld.idx.msk [tilespmem:v0+s30+$0xFFFFFF90 ss:$0x1], $0xffff;
	_ =	sdelay $0x4  }
0x246: {  	[tilespmem:s21+$0xFFFFFEA0] =	vst v3  }
0x247: {  	v3 =	vld.idx.msk [tilespmem:v0+s30+$0xFFFFFFA0 ss:$0x1], $0xffff;
	_ =	sdelay $0x4  }
0x248: {  	[tilespmem:s21+$0xFFFFFEB0] =	vst v3  }
0x249: {  	v3 =	vld.idx.msk [tilespmem:v0+s30+$0xFFFFFFB0 ss:$0x1], $0xffff;
	_ =	sdelay $0x4  }
0x24a: {  	[tilespmem:s21+$0xFFFFFEC0] =	vst v3  }
0x24b: {  	v3 =	vld.idx.msk [tilespmem:v0+s30+$0xFFFFFFC0 ss:$0x1], $0xffff;
	_ =	sdelay $0x4  }
0x24c: {  	[tilespmem:s21+$0xFFFFFED0] =	vst v3  }
0x24d: {  	v3 =	vld.idx.msk [tilespmem:v0+s30+$0xFFFFFFD0 ss:$0x1], $0xffff;
	_ =	sdelay $0x4  }
0x24e: {  	[tilespmem:s21+$0xFFFFFEE0] =	vst v3  }
0x24f: {  	v3 =	vld.idx.msk [tilespmem:v0+s30+$0xFFFFFFE0 ss:$0x1], $0xffff;
	_ =	sdelay $0x4  }
0x250: {  	[tilespmem:s21+$0xFFFFFEF0] =	vst v3  }
0x251: {  	v3 =	vld.idx.msk [tilespmem:v1+s31+$0x300 ss:$0x1], $0xffff;
	_ =	sdelay $0x4  }
0x252: {  	[tilespmem:s21+$0xFFFFFF00] =	vst v3  }
0x253: {  	v3 =	vld.idx.msk [tilespmem:v0+s30+$0x0 ss:$0x1], $0xffff;
	_ =	sdelay $0x4  }
0x254: {  	[tilespmem:s21+$0xFFFFFF10] =	vst v3  }
0x255: {  	v3 =	vld.idx.msk [tilespmem:v0+s30+$0x10 ss:$0x1], $0xffff;
	_ =	sdelay $0x4  }
0x256: {  	[tilespmem:s21+$0xFFFFFF20] =	vst v3  }
0x257: {  	v3 =	vld.idx.msk [tilespmem:v0+s30+$0x20 ss:$0x1], $0xffff;
	_ =	sdelay $0x4  }
0x258: {  	[tilespmem:s21+$0xFFFFFF30] =	vst v3  }
0x259: {  	v3 =	vld.idx.msk [tilespmem:v0+s30+$0x30 ss:$0x1], $0xffff;
	_ =	sdelay $0x4  }
0x25a: {  	[tilespmem:s21+$0xFFFFFF40] =	vst v3  }
0x25b: {  	v3 =	vld.idx.msk [tilespmem:v0+s30+$0x40 ss:$0x1], $0xffff;
	_ =	sdelay $0x4  }
0x25c: {  	[tilespmem:s21+$0xFFFFFF50] =	vst v3  }
0x25d: {  	v3 =	vld.idx.msk [tilespmem:v0+s30+$0x50 ss:$0x1], $0xffff;
	_ =	sdelay $0x4  }
0x25e: {  	[tilespmem:s21+$0xFFFFFF60] =	vst v3  }
0x25f: {  	v3 =	vld.idx.msk [tilespmem:v0+s30+$0x60 ss:$0x1], $0xffff;
	_ =	sdelay $0x4  }
0x260: {  	[tilespmem:s21+$0xFFFFFF70] =	vst v3  }
0x261: {  	v3 =	vld.idx.msk [tilespmem:v1+s31+$0x380 ss:$0x1], $0xffff;
	_ =	sdelay $0x4  }
0x262: {  	[tilespmem:s21+$0xFFFFFF80] =	vst v3  }
0x263: {  	v3 =	vld.idx.msk [tilespmem:v0+s30+$0x80 ss:$0x1], $0xffff;
	_ =	sdelay $0x4  }
0x264: {  	[tilespmem:s21+$0xFFFFFF90] =	vst v3  }
0x265: {  	v3 =	vld.idx.msk [tilespmem:v0+s30+$0x90 ss:$0x1], $0xffff;
	_ =	sdelay $0x4  }
0x266: {  	[tilespmem:s21+$0xFFFFFFA0] =	vst v3  }
0x267: {  	v3 =	vld.idx.msk [tilespmem:v0+s30+$0xA0 ss:$0x1], $0xffff;
	_ =	sdelay $0x4  }
0x268: {  	[tilespmem:s21+$0xFFFFFFB0] =	vst v3  }
0x269: {  	v3 =	vld.idx.msk [tilespmem:v0+s30+$0xB0 ss:$0x1], $0xffff;
	_ =	sdelay $0x4  }
0x26a: {  	[tilespmem:s21+$0xFFFFFFC0] =	vst v3  }
0x26b: {  	v3 =	vld.idx.msk [tilespmem:v0+s30+$0xC0 ss:$0x1], $0xffff;
	_ =	sdelay $0x4  }
0x26c: {  	[tilespmem:s21+$0xFFFFFFD0] =	vst v3  }
0x26d: {  	v3 =	vld.idx.msk [tilespmem:v0+s30+$0xD0 ss:$0x1], $0xffff;
	_ =	sdelay $0x4  }
0x26e: {  	[tilespmem:s21+$0xFFFFFFE0] =	vst v3  }
0x26f: {  	v3 =	vld.idx.msk [tilespmem:v0+s30+$0xE0 ss:$0x1], $0xffff;
	_ =	sdelay $0x4  }
0x270: {  	[tilespmem:s21+$0xFFFFFFF0] =	vst v3  }
0x271: {  	v3 =	vld.idx.msk [tilespmem:v1+s31+$0x400 ss:$0x1], $0xffff;
	_ =	sdelay $0x4  }
0x272: {  	[tilespmem:s21+$0x0] =	vst v3  }
0x273: {  	v3 =	vld.idx.msk [tilespmem:v0+s30+$0x100 ss:$0x1], $0xffff;
	_ =	sdelay $0x4  }
0x274: {  	[tilespmem:s21+$0x10] =	vst v3  }
0x275: {  	v3 =	vld.idx.msk [tilespmem:v0+s30+$0x110 ss:$0x1], $0xffff;
	_ =	sdelay $0x4  }
0x276: {  	[tilespmem:s21+$0x20] =	vst v3  }
0x277: {  	v3 =	vld.idx.msk [tilespmem:v0+s30+$0x120 ss:$0x1], $0xffff;
	_ =	sdelay $0x4  }
0x278: {  	[tilespmem:s21+$0x30] =	vst v3  }
0x279: {  	v3 =	vld.idx.msk [tilespmem:v0+s30+$0x130 ss:$0x1], $0xffff;
	_ =	sdelay $0x4  }
0x27a: {  	[tilespmem:s21+$0x40] =	vst v3  }
0x27b: {  	v3 =	vld.idx.msk [tilespmem:v0+s30+$0x140 ss:$0x1], $0xffff;
	_ =	sdelay $0x4  }
0x27c: {  	[tilespmem:s21+$0x50] =	vst v3  }
0x27d: {  	v3 =	vld.idx.msk [tilespmem:v0+s30+$0x150 ss:$0x1], $0xffff;
	_ =	sdelay $0x4  }
0x27e: {  	[tilespmem:s21+$0x60] =	vst v3  }
0x27f: {  	v3 =	vld.idx.msk [tilespmem:v0+s30+$0x160 ss:$0x1], $0xffff;
	_ =	sdelay $0x4  }
0x280: {  	[tilespmem:s21+$0x70] =	vst v3  }
0x281: {  	v3 =	vld.idx.msk [tilespmem:v1+s31+$0x480 ss:$0x1], $0xffff;
	_ =	sdelay $0x4  }
0x282: {  	[tilespmem:s21+$0x80] =	vst v3  }
0x283: {  	v3 =	vld.idx.msk [tilespmem:v0+s30+$0x180 ss:$0x1], $0xffff;
	_ =	sdelay $0x4  }
0x284: {  	[tilespmem:s21+$0x90] =	vst v3  }
0x285: {  	v3 =	vld.idx.msk [tilespmem:v0+s30+$0x190 ss:$0x1], $0xffff;
	_ =	sdelay $0x4  }
0x286: {  	[tilespmem:s21+$0xA0] =	vst v3  }
0x287: {  	v3 =	vld.idx.msk [tilespmem:v0+s30+$0x1A0 ss:$0x1], $0xffff;
	_ =	sdelay $0x4  }
0x288: {  	[tilespmem:s21+$0xB0] =	vst v3  }
0x289: {  	v3 =	vld.idx.msk [tilespmem:v0+s30+$0x1B0 ss:$0x1], $0xffff;
	_ =	sdelay $0x4  }
0x28a: {  	[tilespmem:s21+$0xC0] =	vst v3  }
0x28b: {  	v3 =	vld.idx.msk [tilespmem:v0+s30+$0x1C0 ss:$0x1], $0xffff;
	_ =	sdelay $0x4  }
0x28c: {  	[tilespmem:s21+$0xD0] =	vst v3  }
0x28d: {  	v3 =	vld.idx.msk [tilespmem:v0+s30+$0x1D0 ss:$0x1], $0xffff;
	_ =	sdelay $0x4  }
0x28e: {  	[tilespmem:s21+$0xE0] =	vst v3  }
0x28f: {  	v3 =	vld.idx.msk [tilespmem:v0+s30+$0x1E0 ss:$0x1], $0xffff;
	_ =	sdelay $0x4  }
0x290: {  	[tilespmem:s21+$0xF0] =	vst v3  }
0x291: {  	v3 =	vld.idx.msk [tilespmem:v1+s31+$0x500 ss:$0x1], $0xffff;
	_ =	sdelay $0x4  }
0x292: {  	[tilespmem:s21+$0x100] =	vst v3  }
0x293: {  	v3 =	vld.idx.msk [tilespmem:v0+s30+$0x200 ss:$0x1], $0xffff;
	_ =	sdelay $0x4  }
0x294: {  	[tilespmem:s21+$0x110] =	vst v3  }
0x295: {  	v3 =	vld.idx.msk [tilespmem:v0+s30+$0x210 ss:$0x1], $0xffff;
	_ =	sdelay $0x4  }
0x296: {  	[tilespmem:s21+$0x120] =	vst v3  }
0x297: {  	v3 =	vld.idx.msk [tilespmem:v0+s30+$0x220 ss:$0x1], $0xffff;
	_ =	sdelay $0x4  }
0x298: {  	[tilespmem:s21+$0x130] =	vst v3  }
0x299: {  	v3 =	vld.idx.msk [tilespmem:v0+s30+$0x230 ss:$0x1], $0xffff;
	_ =	sdelay $0x4  }
0x29a: {  	[tilespmem:s21+$0x140] =	vst v3  }
0x29b: {  	v3 =	vld.idx.msk [tilespmem:v0+s30+$0x240 ss:$0x1], $0xffff;
	_ =	sdelay $0x4  }
0x29c: {  	[tilespmem:s21+$0x150] =	vst v3  }
0x29d: {  	v3 =	vld.idx.msk [tilespmem:v0+s30+$0x250 ss:$0x1], $0xffff;
	_ =	sdelay $0x4  }
0x29e: {  	[tilespmem:s21+$0x160] =	vst v3  }
0x29f: {  	v3 =	vld.idx.msk [tilespmem:v0+s30+$0x260 ss:$0x1], $0xffff;
	_ =	sdelay $0x4  }
0x2a0: {  	[tilespmem:s21+$0x170] =	vst v3  }
0x2a1: {  	v3 =	vld.idx.msk [tilespmem:v1+s31+$0x580 ss:$0x1], $0xffff;
	_ =	sdelay $0x4  }
0x2a2: {  	[tilespmem:s21+$0x180] =	vst v3  }
0x2a3: {  	v3 =	vld.idx.msk [tilespmem:v0+s30+$0x280 ss:$0x1], $0xffff;
	_ =	sdelay $0x4  }
0x2a4: {  	[tilespmem:s21+$0x190] =	vst v3  }
0x2a5: {  	v3 =	vld.idx.msk [tilespmem:v0+s30+$0x290 ss:$0x1], $0xffff;
	_ =	sdelay $0x4  }
0x2a6: {  	[tilespmem:s21+$0x1A0] =	vst v3  }
0x2a7: {  	v3 =	vld.idx.msk [tilespmem:v0+s30+$0x2A0 ss:$0x1], $0xffff;
	_ =	sdelay $0x4  }
0x2a8: {  	[tilespmem:s21+$0x1B0] =	vst v3  }
0x2a9: {  	v3 =	vld.idx.msk [tilespmem:v0+s30+$0x2B0 ss:$0x1], $0xffff;
	_ =	sdelay $0x4  }
0x2aa: {  	[tilespmem:s21+$0x1C0] =	vst v3  }
0x2ab: {  	v3 =	vld.idx.msk [tilespmem:v0+s30+$0x2C0 ss:$0x1], $0xffff;
	_ =	sdelay $0x4  }
0x2ac: {  	[tilespmem:s21+$0x1D0] =	vst v3  }
0x2ad: {  	v3 =	vld.idx.msk [tilespmem:v0+s30+$0x2D0 ss:$0x1], $0xffff;
	_ =	sdelay $0x4  }
0x2ae: {  	[tilespmem:s21+$0x1E0] =	vst v3  }
0x2af: {  	v3 =	vld.idx.msk [tilespmem:v0+s30+$0x2E0 ss:$0x1], $0xffff;
	_ =	sdelay $0x4  }
0x2b0: {  	s22 =	simm.s32 $0x800;
	s23 =	simm.s32 $0x4000;
	[tilespmem:s21+$0x1F0] =	vst v3  }
.LBB2_11:
0x2b1: {  	p1 =	sne.s32 s23, $0x1E000;
	v3 =	vld.idx.msk [tilespmem:v2+s22+$0x0 ss:$0x1], $0xffff;
	_ =	sdelay $0x4  }
0x2b2: {  	s21 =	sadd.s32 $0x400, s21  }
0x2b3: {  	[tilespmem:s21+$0xFFFFFE00] =	vst v3  }
0x2b4: {  	v3 =	vld.idx.msk [tilespmem:v0+s22+$0xFFFFFF00 ss:$0x1], $0xffff;
	_ =	sdelay $0x5  }
0x2b5: {  	[tilespmem:s21+$0xFFFFFE10] =	vst v3  }
0x2b6: {  	v3 =	vld.idx.msk [tilespmem:v0+s22+$0xFFFFFF10 ss:$0x1], $0xffff;
	_ =	sdelay $0x5  }
0x2b7: {  	[tilespmem:s21+$0xFFFFFE20] =	vst v3  }
0x2b8: {  	v3 =	vld.idx.msk [tilespmem:v0+s22+$0xFFFFFF20 ss:$0x1], $0xffff;
	_ =	sdelay $0x5  }
0x2b9: {  	[tilespmem:s21+$0xFFFFFE30] =	vst v3  }
0x2ba: {  	v3 =	vld.idx.msk [tilespmem:v0+s22+$0xFFFFFF30 ss:$0x1], $0xffff;
	_ =	sdelay $0x5  }
0x2bb: {  	[tilespmem:s21+$0xFFFFFE40] =	vst v3  }
0x2bc: {  	v3 =	vld.idx.msk [tilespmem:v0+s22+$0xFFFFFF40 ss:$0x1], $0xffff;
	_ =	sdelay $0x5  }
0x2bd: {  	[tilespmem:s21+$0xFFFFFE50] =	vst v3  }
0x2be: {  	v3 =	vld.idx.msk [tilespmem:v0+s22+$0xFFFFFF50 ss:$0x1], $0xffff;
	_ =	sdelay $0x5  }
0x2bf: {  	[tilespmem:s21+$0xFFFFFE60] =	vst v3  }
0x2c0: {  	v3 =	vld.idx.msk [tilespmem:v0+s22+$0xFFFFFF60 ss:$0x1], $0xffff;
	_ =	sdelay $0x4  }
0x2c1: {  	s20 =	sadd.s32 $0x800, s20  }
0x2c2: {  	s24 =	sand.u32 $0xFFFFFF80, s20;
	[tilespmem:s21+$0xFFFFFE70] =	vst v3  }
0x2c3: {  	v3 =	vld.idx.msk [tilespmem:v1+s24+$0x280 ss:$0x1], $0xffff;
	_ =	sdelay $0x5  }
0x2c4: {  	[tilespmem:s21+$0xFFFFFE80] =	vst v3  }
0x2c5: {  	v3 =	vld.idx.msk [tilespmem:v0+s22+$0xFFFFFF80 ss:$0x1], $0xffff;
	_ =	sdelay $0x5  }
0x2c6: {  	[tilespmem:s21+$0xFFFFFE90] =	vst v3  }
0x2c7: {  	v3 =	vld.idx.msk [tilespmem:v0+s22+$0xFFFFFF90 ss:$0x1], $0xffff;
	_ =	sdelay $0x5  }
0x2c8: {  	[tilespmem:s21+$0xFFFFFEA0] =	vst v3  }
0x2c9: {  	v3 =	vld.idx.msk [tilespmem:v0+s22+$0xFFFFFFA0 ss:$0x1], $0xffff;
	_ =	sdelay $0x5  }
0x2ca: {  	[tilespmem:s21+$0xFFFFFEB0] =	vst v3  }
0x2cb: {  	v3 =	vld.idx.msk [tilespmem:v0+s22+$0xFFFFFFB0 ss:$0x1], $0xffff;
	_ =	sdelay $0x5  }
0x2cc: {  	[tilespmem:s21+$0xFFFFFEC0] =	vst v3  }
0x2cd: {  	v3 =	vld.idx.msk [tilespmem:v0+s22+$0xFFFFFFC0 ss:$0x1], $0xffff;
	_ =	sdelay $0x5  }
0x2ce: {  	[tilespmem:s21+$0xFFFFFED0] =	vst v3  }
0x2cf: {  	v3 =	vld.idx.msk [tilespmem:v0+s22+$0xFFFFFFD0 ss:$0x1], $0xffff;
	_ =	sdelay $0x5  }
0x2d0: {  	[tilespmem:s21+$0xFFFFFEE0] =	vst v3  }
0x2d1: {  	v3 =	vld.idx.msk [tilespmem:v0+s22+$0xFFFFFFE0 ss:$0x1], $0xffff;
	_ =	sdelay $0x5  }
0x2d2: {  	[tilespmem:s21+$0xFFFFFEF0] =	vst v3  }
0x2d3: {  	v3 =	vld.idx.msk [tilespmem:v1+s24+$0x300 ss:$0x1], $0xffff;
	_ =	sdelay $0x5  }
0x2d4: {  	[tilespmem:s21+$0xFFFFFF00] =	vst v3  }
0x2d5: {  	v3 =	vld.idx.msk [tilespmem:v0+s22+$0x0 ss:$0x1], $0xffff;
	_ =	sdelay $0x5  }
0x2d6: {  	[tilespmem:s21+$0xFFFFFF10] =	vst v3  }
0x2d7: {  	v3 =	vld.idx.msk [tilespmem:v0+s22+$0x10 ss:$0x1], $0xffff;
	_ =	sdelay $0x5  }
0x2d8: {  	[tilespmem:s21+$0xFFFFFF20] =	vst v3  }
0x2d9: {  	v3 =	vld.idx.msk [tilespmem:v0+s22+$0x20 ss:$0x1], $0xffff;
	_ =	sdelay $0x5  }
0x2da: {  	[tilespmem:s21+$0xFFFFFF30] =	vst v3  }
0x2db: {  	v3 =	vld.idx.msk [tilespmem:v0+s22+$0x30 ss:$0x1], $0xffff;
	_ =	sdelay $0x5  }
0x2dc: {  	[tilespmem:s21+$0xFFFFFF40] =	vst v3  }
0x2dd: {  	v3 =	vld.idx.msk [tilespmem:v0+s22+$0x40 ss:$0x1], $0xffff;
	_ =	sdelay $0x5  }
0x2de: {  	[tilespmem:s21+$0xFFFFFF50] =	vst v3  }
0x2df: {  	v3 =	vld.idx.msk [tilespmem:v0+s22+$0x50 ss:$0x1], $0xffff;
	_ =	sdelay $0x5  }
0x2e0: {  	[tilespmem:s21+$0xFFFFFF60] =	vst v3  }
0x2e1: {  	v3 =	vld.idx.msk [tilespmem:v0+s22+$0x60 ss:$0x1], $0xffff;
	_ =	sdelay $0x5  }
0x2e2: {  	[tilespmem:s21+$0xFFFFFF70] =	vst v3  }
0x2e3: {  	v3 =	vld.idx.msk [tilespmem:v1+s24+$0x380 ss:$0x1], $0xffff;
	_ =	sdelay $0x5  }
0x2e4: {  	[tilespmem:s21+$0xFFFFFF80] =	vst v3  }
0x2e5: {  	v3 =	vld.idx.msk [tilespmem:v0+s22+$0x80 ss:$0x1], $0xffff;
	_ =	sdelay $0x5  }
0x2e6: {  	[tilespmem:s21+$0xFFFFFF90] =	vst v3  }
0x2e7: {  	v3 =	vld.idx.msk [tilespmem:v0+s22+$0x90 ss:$0x1], $0xffff;
	_ =	sdelay $0x5  }
0x2e8: {  	[tilespmem:s21+$0xFFFFFFA0] =	vst v3  }
0x2e9: {  	v3 =	vld.idx.msk [tilespmem:v0+s22+$0xA0 ss:$0x1], $0xffff;
	_ =	sdelay $0x5  }
0x2ea: {  	[tilespmem:s21+$0xFFFFFFB0] =	vst v3  }
0x2eb: {  	v3 =	vld.idx.msk [tilespmem:v0+s22+$0xB0 ss:$0x1], $0xffff;
	_ =	sdelay $0x5  }
0x2ec: {  	[tilespmem:s21+$0xFFFFFFC0] =	vst v3  }
0x2ed: {  	v3 =	vld.idx.msk [tilespmem:v0+s22+$0xC0 ss:$0x1], $0xffff;
	_ =	sdelay $0x5  }
0x2ee: {  	[tilespmem:s21+$0xFFFFFFD0] =	vst v3  }
0x2ef: {  	v3 =	vld.idx.msk [tilespmem:v0+s22+$0xD0 ss:$0x1], $0xffff;
	_ =	sdelay $0x5  }
0x2f0: {  	[tilespmem:s21+$0xFFFFFFE0] =	vst v3  }
0x2f1: {  	v3 =	vld.idx.msk [tilespmem:v0+s22+$0xE0 ss:$0x1], $0xffff;
	_ =	sdelay $0x5  }
0x2f2: {  	[tilespmem:s21+$0xFFFFFFF0] =	vst v3  }
0x2f3: {  	v3 =	vld.idx.msk [tilespmem:v1+s24+$0x400 ss:$0x1], $0xffff;
	_ =	sdelay $0x5  }
0x2f4: {  	[tilespmem:s21+$0x0] =	vst v3  }
0x2f5: {  	v3 =	vld.idx.msk [tilespmem:v0+s22+$0x100 ss:$0x1], $0xffff;
	_ =	sdelay $0x5  }
0x2f6: {  	[tilespmem:s21+$0x10] =	vst v3  }
0x2f7: {  	v3 =	vld.idx.msk [tilespmem:v0+s22+$0x110 ss:$0x1], $0xffff;
	_ =	sdelay $0x5  }
0x2f8: {  	[tilespmem:s21+$0x20] =	vst v3  }
0x2f9: {  	v3 =	vld.idx.msk [tilespmem:v0+s22+$0x120 ss:$0x1], $0xffff;
	_ =	sdelay $0x5  }
0x2fa: {  	[tilespmem:s21+$0x30] =	vst v3  }
0x2fb: {  	v3 =	vld.idx.msk [tilespmem:v0+s22+$0x130 ss:$0x1], $0xffff;
	_ =	sdelay $0x5  }
0x2fc: {  	[tilespmem:s21+$0x40] =	vst v3  }
0x2fd: {  	v3 =	vld.idx.msk [tilespmem:v0+s22+$0x140 ss:$0x1], $0xffff;
	_ =	sdelay $0x5  }
0x2fe: {  	[tilespmem:s21+$0x50] =	vst v3  }
0x2ff: {  	v3 =	vld.idx.msk [tilespmem:v0+s22+$0x150 ss:$0x1], $0xffff;
	_ =	sdelay $0x5  }
0x300: {  	[tilespmem:s21+$0x60] =	vst v3  }
0x301: {  	v3 =	vld.idx.msk [tilespmem:v0+s22+$0x160 ss:$0x1], $0xffff;
	_ =	sdelay $0x5  }
0x302: {  	[tilespmem:s21+$0x70] =	vst v3  }
0x303: {  	v3 =	vld.idx.msk [tilespmem:v1+s24+$0x480 ss:$0x1], $0xffff;
	_ =	sdelay $0x5  }
0x304: {  	[tilespmem:s21+$0x80] =	vst v3  }
0x305: {  	v3 =	vld.idx.msk [tilespmem:v0+s22+$0x180 ss:$0x1], $0xffff;
	_ =	sdelay $0x5  }
0x306: {  	[tilespmem:s21+$0x90] =	vst v3  }
0x307: {  	v3 =	vld.idx.msk [tilespmem:v0+s22+$0x190 ss:$0x1], $0xffff;
	_ =	sdelay $0x5  }
0x308: {  	[tilespmem:s21+$0xA0] =	vst v3  }
0x309: {  	v3 =	vld.idx.msk [tilespmem:v0+s22+$0x1A0 ss:$0x1], $0xffff;
	_ =	sdelay $0x5  }
0x30a: {  	[tilespmem:s21+$0xB0] =	vst v3  }
0x30b: {  	v3 =	vld.idx.msk [tilespmem:v0+s22+$0x1B0 ss:$0x1], $0xffff;
	_ =	sdelay $0x5  }
0x30c: {  	[tilespmem:s21+$0xC0] =	vst v3  }
0x30d: {  	v3 =	vld.idx.msk [tilespmem:v0+s22+$0x1C0 ss:$0x1], $0xffff;
	_ =	sdelay $0x5  }
0x30e: {  	[tilespmem:s21+$0xD0] =	vst v3  }
0x30f: {  	v3 =	vld.idx.msk [tilespmem:v0+s22+$0x1D0 ss:$0x1], $0xffff;
	_ =	sdelay $0x5  }
0x310: {  	[tilespmem:s21+$0xE0] =	vst v3  }
0x311: {  	v3 =	vld.idx.msk [tilespmem:v0+s22+$0x1E0 ss:$0x1], $0xffff;
	_ =	sdelay $0x5  }
0x312: {  	[tilespmem:s21+$0xF0] =	vst v3  }
0x313: {  	v3 =	vld.idx.msk [tilespmem:v1+s24+$0x500 ss:$0x1], $0xffff;
	_ =	sdelay $0x5  }
0x314: {  	[tilespmem:s21+$0x100] =	vst v3  }
0x315: {  	v3 =	vld.idx.msk [tilespmem:v0+s22+$0x200 ss:$0x1], $0xffff;
	_ =	sdelay $0x5  }
0x316: {  	[tilespmem:s21+$0x110] =	vst v3  }
0x317: {  	v3 =	vld.idx.msk [tilespmem:v0+s22+$0x210 ss:$0x1], $0xffff;
	_ =	sdelay $0x5  }
0x318: {  	[tilespmem:s21+$0x120] =	vst v3  }
0x319: {  	v3 =	vld.idx.msk [tilespmem:v0+s22+$0x220 ss:$0x1], $0xffff;
	_ =	sdelay $0x5  }
0x31a: {  	[tilespmem:s21+$0x130] =	vst v3  }
0x31b: {  	v3 =	vld.idx.msk [tilespmem:v0+s22+$0x230 ss:$0x1], $0xffff;
	_ =	sdelay $0x5  }
0x31c: {  	[tilespmem:s21+$0x140] =	vst v3  }
0x31d: {  	v3 =	vld.idx.msk [tilespmem:v0+s22+$0x240 ss:$0x1], $0xffff;
	_ =	sdelay $0x5  }
0x31e: {  	[tilespmem:s21+$0x150] =	vst v3  }
0x31f: {  	v3 =	vld.idx.msk [tilespmem:v0+s22+$0x250 ss:$0x1], $0xffff;
	_ =	sdelay $0x5  }
0x320: {  	[tilespmem:s21+$0x160] =	vst v3  }
0x321: {  	v3 =	vld.idx.msk [tilespmem:v0+s22+$0x260 ss:$0x1], $0xffff;
	_ =	sdelay $0x5  }
0x322: {  	[tilespmem:s21+$0x170] =	vst v3  }
0x323: {  	v3 =	vld.idx.msk [tilespmem:v1+s24+$0x580 ss:$0x1], $0xffff;
	_ =	sdelay $0x5  }
0x324: {  	[tilespmem:s21+$0x180] =	vst v3  }
0x325: {  	v3 =	vld.idx.msk [tilespmem:v0+s22+$0x280 ss:$0x1], $0xffff;
	_ =	sdelay $0x5  }
0x326: {  	[tilespmem:s21+$0x190] =	vst v3  }
0x327: {  	v3 =	vld.idx.msk [tilespmem:v0+s22+$0x290 ss:$0x1], $0xffff;
	_ =	sdelay $0x5  }
0x328: {  	[tilespmem:s21+$0x1A0] =	vst v3  }
0x329: {  	v3 =	vld.idx.msk [tilespmem:v0+s22+$0x2A0 ss:$0x1], $0xffff;
	_ =	sdelay $0x5  }
0x32a: {  	[tilespmem:s21+$0x1B0] =	vst v3  }
0x32b: {  	v3 =	vld.idx.msk [tilespmem:v0+s22+$0x2B0 ss:$0x1], $0xffff;
	_ =	sdelay $0x5  }
0x32c: {  	[tilespmem:s21+$0x1C0] =	vst v3  }
0x32d: {  	v3 =	vld.idx.msk [tilespmem:v0+s22+$0x2C0 ss:$0x1], $0xffff;
	_ =	sdelay $0x5  }
0x32e: {  	[tilespmem:s21+$0x1D0] =	vst v3  }
0x32f: {  	v3 =	vld.idx.msk [tilespmem:v0+s22+$0x2D0 ss:$0x1], $0xffff;
	_ =	sdelay $0x5  }
0x330: {  	[tilespmem:s21+$0x1E0] =	vst v3  }
0x331: {  	v3 =	vld.idx.msk [tilespmem:v0+s22+$0x2E0 ss:$0x1], $0xffff;
	_ =	sdelay $0x1  }
.Ltmp7:
0x332: {  	(pc) =	sbr.rel @p1 .LBB2_11-.Ltmp7, $2  }
0x333: {  	_ =	sdelay $0x2  }
0x334: {  	s22 =	sshra.s32 s23, $0x2;
	s23 =	sadd.s32 $0x2000, s23;
	[tilespmem:s21+$0x1F0] =	vst v3  }
0x335: {  	_ =	sdelay $0x3  }
0x336: {  	v2 =	vld.idx.msk [tilespmem:v2+s22+$0x0 ss:$0x1], $0xffff;
	_ =	sdelay $0x3  }
0x337: {  	s21 =	sadd.s32 $0x400, s21  }
0x338: {  	[tilespmem:s21+$0xFFFFFE00] =	vst v2  }
0x339: {  	v2 =	vld.idx.msk [tilespmem:v0+s22+$0xFFFFFF00 ss:$0x1], $0xffff;
	_ =	sdelay $0x4  }
0x33a: {  	[tilespmem:s21+$0xFFFFFE10] =	vst v2  }
0x33b: {  	v2 =	vld.idx.msk [tilespmem:v0+s22+$0xFFFFFF10 ss:$0x1], $0xffff;
	_ =	sdelay $0x4  }
0x33c: {  	[tilespmem:s21+$0xFFFFFE20] =	vst v2  }
0x33d: {  	v2 =	vld.idx.msk [tilespmem:v0+s22+$0xFFFFFF20 ss:$0x1], $0xffff;
	_ =	sdelay $0x4  }
0x33e: {  	[tilespmem:s21+$0xFFFFFE30] =	vst v2  }
0x33f: {  	v2 =	vld.idx.msk [tilespmem:v0+s22+$0xFFFFFF30 ss:$0x1], $0xffff;
	_ =	sdelay $0x4  }
0x340: {  	[tilespmem:s21+$0xFFFFFE40] =	vst v2  }
0x341: {  	v2 =	vld.idx.msk [tilespmem:v0+s22+$0xFFFFFF40 ss:$0x1], $0xffff;
	_ =	sdelay $0x4  }
0x342: {  	[tilespmem:s21+$0xFFFFFE50] =	vst v2  }
0x343: {  	v2 =	vld.idx.msk [tilespmem:v0+s22+$0xFFFFFF50 ss:$0x1], $0xffff;
	_ =	sdelay $0x4  }
0x344: {  	[tilespmem:s21+$0xFFFFFE60] =	vst v2  }
0x345: {  	v2 =	vld.idx.msk [tilespmem:v0+s22+$0xFFFFFF60 ss:$0x1], $0xffff;
	_ =	sdelay $0x3  }
0x346: {  	s20 =	sadd.s32 $0x800, s20  }
0x347: {  	s20 =	sand.u32 $0xFFFFFF80, s20;
	[tilespmem:s21+$0xFFFFFE70] =	vst v2  }
0x348: {  	v2 =	vld.idx.msk [tilespmem:v1+s20+$0x280 ss:$0x1], $0xffff;
	_ =	sdelay $0x4  }
0x349: {  	[tilespmem:s21+$0xFFFFFE80] =	vst v2  }
0x34a: {  	v2 =	vld.idx.msk [tilespmem:v0+s22+$0xFFFFFF80 ss:$0x1], $0xffff;
	_ =	sdelay $0x4  }
0x34b: {  	[tilespmem:s21+$0xFFFFFE90] =	vst v2  }
0x34c: {  	v2 =	vld.idx.msk [tilespmem:v0+s22+$0xFFFFFF90 ss:$0x1], $0xffff;
	_ =	sdelay $0x4  }
0x34d: {  	[tilespmem:s21+$0xFFFFFEA0] =	vst v2  }
0x34e: {  	v2 =	vld.idx.msk [tilespmem:v0+s22+$0xFFFFFFA0 ss:$0x1], $0xffff;
	_ =	sdelay $0x4  }
0x34f: {  	[tilespmem:s21+$0xFFFFFEB0] =	vst v2  }
0x350: {  	v2 =	vld.idx.msk [tilespmem:v0+s22+$0xFFFFFFB0 ss:$0x1], $0xffff;
	_ =	sdelay $0x4  }
0x351: {  	[tilespmem:s21+$0xFFFFFEC0] =	vst v2  }
0x352: {  	v2 =	vld.idx.msk [tilespmem:v0+s22+$0xFFFFFFC0 ss:$0x1], $0xffff;
	_ =	sdelay $0x4  }
0x353: {  	[tilespmem:s21+$0xFFFFFED0] =	vst v2  }
0x354: {  	v2 =	vld.idx.msk [tilespmem:v0+s22+$0xFFFFFFD0 ss:$0x1], $0xffff;
	_ =	sdelay $0x4  }
0x355: {  	[tilespmem:s21+$0xFFFFFEE0] =	vst v2  }
0x356: {  	v2 =	vld.idx.msk [tilespmem:v0+s22+$0xFFFFFFE0 ss:$0x1], $0xffff;
	_ =	sdelay $0x4  }
0x357: {  	[tilespmem:s21+$0xFFFFFEF0] =	vst v2  }
0x358: {  	v2 =	vld.idx.msk [tilespmem:v1+s20+$0x300 ss:$0x1], $0xffff;
	_ =	sdelay $0x4  }
0x359: {  	[tilespmem:s21+$0xFFFFFF00] =	vst v2  }
0x35a: {  	v2 =	vld.idx.msk [tilespmem:v0+s22+$0x0 ss:$0x1], $0xffff;
	_ =	sdelay $0x4  }
0x35b: {  	[tilespmem:s21+$0xFFFFFF10] =	vst v2  }
0x35c: {  	v2 =	vld.idx.msk [tilespmem:v0+s22+$0x10 ss:$0x1], $0xffff;
	_ =	sdelay $0x4  }
0x35d: {  	[tilespmem:s21+$0xFFFFFF20] =	vst v2  }
0x35e: {  	v2 =	vld.idx.msk [tilespmem:v0+s22+$0x20 ss:$0x1], $0xffff;
	_ =	sdelay $0x4  }
0x35f: {  	[tilespmem:s21+$0xFFFFFF30] =	vst v2  }
0x360: {  	v2 =	vld.idx.msk [tilespmem:v0+s22+$0x30 ss:$0x1], $0xffff;
	_ =	sdelay $0x4  }
0x361: {  	[tilespmem:s21+$0xFFFFFF40] =	vst v2  }
0x362: {  	v2 =	vld.idx.msk [tilespmem:v0+s22+$0x40 ss:$0x1], $0xffff;
	_ =	sdelay $0x4  }
0x363: {  	[tilespmem:s21+$0xFFFFFF50] =	vst v2  }
0x364: {  	v2 =	vld.idx.msk [tilespmem:v0+s22+$0x50 ss:$0x1], $0xffff;
	_ =	sdelay $0x4  }
0x365: {  	[tilespmem:s21+$0xFFFFFF60] =	vst v2  }
0x366: {  	v2 =	vld.idx.msk [tilespmem:v0+s22+$0x60 ss:$0x1], $0xffff;
	_ =	sdelay $0x4  }
0x367: {  	[tilespmem:s21+$0xFFFFFF70] =	vst v2  }
0x368: {  	v2 =	vld.idx.msk [tilespmem:v1+s20+$0x380 ss:$0x1], $0xffff;
	_ =	sdelay $0x4  }
0x369: {  	[tilespmem:s21+$0xFFFFFF80] =	vst v2  }
0x36a: {  	v2 =	vld.idx.msk [tilespmem:v0+s22+$0x80 ss:$0x1], $0xffff;
	_ =	sdelay $0x4  }
0x36b: {  	[tilespmem:s21+$0xFFFFFF90] =	vst v2  }
0x36c: {  	v2 =	vld.idx.msk [tilespmem:v0+s22+$0x90 ss:$0x1], $0xffff;
	_ =	sdelay $0x4  }
0x36d: {  	[tilespmem:s21+$0xFFFFFFA0] =	vst v2  }
0x36e: {  	v2 =	vld.idx.msk [tilespmem:v0+s22+$0xA0 ss:$0x1], $0xffff;
	_ =	sdelay $0x4  }
0x36f: {  	[tilespmem:s21+$0xFFFFFFB0] =	vst v2  }
0x370: {  	v2 =	vld.idx.msk [tilespmem:v0+s22+$0xB0 ss:$0x1], $0xffff;
	_ =	sdelay $0x4  }
0x371: {  	[tilespmem:s21+$0xFFFFFFC0] =	vst v2  }
0x372: {  	v2 =	vld.idx.msk [tilespmem:v0+s22+$0xC0 ss:$0x1], $0xffff;
	_ =	sdelay $0x4  }
0x373: {  	[tilespmem:s21+$0xFFFFFFD0] =	vst v2  }
0x374: {  	v2 =	vld.idx.msk [tilespmem:v0+s22+$0xD0 ss:$0x1], $0xffff;
	_ =	sdelay $0x4  }
0x375: {  	[tilespmem:s21+$0xFFFFFFE0] =	vst v2  }
0x376: {  	v2 =	vld.idx.msk [tilespmem:v0+s22+$0xE0 ss:$0x1], $0xffff;
	_ =	sdelay $0x4  }
0x377: {  	[tilespmem:s21+$0xFFFFFFF0] =	vst v2  }
0x378: {  	v2 =	vld.idx.msk [tilespmem:v1+s20+$0x400 ss:$0x1], $0xffff;
	_ =	sdelay $0x4  }
0x379: {  	[tilespmem:s21+$0x0] =	vst v2  }
0x37a: {  	v2 =	vld.idx.msk [tilespmem:v0+s22+$0x100 ss:$0x1], $0xffff;
	_ =	sdelay $0x4  }
0x37b: {  	[tilespmem:s21+$0x10] =	vst v2  }
0x37c: {  	v2 =	vld.idx.msk [tilespmem:v0+s22+$0x110 ss:$0x1], $0xffff;
	_ =	sdelay $0x4  }
0x37d: {  	[tilespmem:s21+$0x20] =	vst v2  }
0x37e: {  	v2 =	vld.idx.msk [tilespmem:v0+s22+$0x120 ss:$0x1], $0xffff;
	_ =	sdelay $0x4  }
0x37f: {  	[tilespmem:s21+$0x30] =	vst v2  }
0x380: {  	v2 =	vld.idx.msk [tilespmem:v0+s22+$0x130 ss:$0x1], $0xffff;
	_ =	sdelay $0x4  }
0x381: {  	[tilespmem:s21+$0x40] =	vst v2  }
0x382: {  	v2 =	vld.idx.msk [tilespmem:v0+s22+$0x140 ss:$0x1], $0xffff;
	_ =	sdelay $0x4  }
0x383: {  	[tilespmem:s21+$0x50] =	vst v2  }
0x384: {  	v2 =	vld.idx.msk [tilespmem:v0+s22+$0x150 ss:$0x1], $0xffff;
	_ =	sdelay $0x4  }
0x385: {  	[tilespmem:s21+$0x60] =	vst v2  }
0x386: {  	v2 =	vld.idx.msk [tilespmem:v0+s22+$0x160 ss:$0x1], $0xffff;
	_ =	sdelay $0x4  }
0x387: {  	[tilespmem:s21+$0x70] =	vst v2  }
0x388: {  	v2 =	vld.idx.msk [tilespmem:v1+s20+$0x480 ss:$0x1], $0xffff;
	_ =	sdelay $0x4  }
0x389: {  	[tilespmem:s21+$0x80] =	vst v2  }
0x38a: {  	v2 =	vld.idx.msk [tilespmem:v0+s22+$0x180 ss:$0x1], $0xffff;
	_ =	sdelay $0x4  }
0x38b: {  	[tilespmem:s21+$0x90] =	vst v2  }
0x38c: {  	v2 =	vld.idx.msk [tilespmem:v0+s22+$0x190 ss:$0x1], $0xffff;
	_ =	sdelay $0x4  }
0x38d: {  	[tilespmem:s21+$0xA0] =	vst v2  }
0x38e: {  	v2 =	vld.idx.msk [tilespmem:v0+s22+$0x1A0 ss:$0x1], $0xffff;
	_ =	sdelay $0x4  }
0x38f: {  	[tilespmem:s21+$0xB0] =	vst v2  }
0x390: {  	v2 =	vld.idx.msk [tilespmem:v0+s22+$0x1B0 ss:$0x1], $0xffff;
	_ =	sdelay $0x4  }
0x391: {  	[tilespmem:s21+$0xC0] =	vst v2  }
0x392: {  	v2 =	vld.idx.msk [tilespmem:v0+s22+$0x1C0 ss:$0x1], $0xffff;
	_ =	sdelay $0x4  }
0x393: {  	[tilespmem:s21+$0xD0] =	vst v2  }
0x394: {  	v2 =	vld.idx.msk [tilespmem:v0+s22+$0x1D0 ss:$0x1], $0xffff;
	_ =	sdelay $0x4  }
0x395: {  	[tilespmem:s21+$0xE0] =	vst v2  }
0x396: {  	v2 =	vld.idx.msk [tilespmem:v0+s22+$0x1E0 ss:$0x1], $0xffff;
	_ =	sdelay $0x4  }
0x397: {  	[tilespmem:s21+$0xF0] =	vst v2  }
0x398: {  	v2 =	vld.idx.msk [tilespmem:v1+s20+$0x500 ss:$0x1], $0xffff;
	_ =	sdelay $0x4  }
0x399: {  	[tilespmem:s21+$0x100] =	vst v2  }
0x39a: {  	v2 =	vld.idx.msk [tilespmem:v0+s22+$0x200 ss:$0x1], $0xffff;
	_ =	sdelay $0x4  }
0x39b: {  	[tilespmem:s21+$0x110] =	vst v2  }
0x39c: {  	v2 =	vld.idx.msk [tilespmem:v0+s22+$0x210 ss:$0x1], $0xffff;
	_ =	sdelay $0x4  }
0x39d: {  	[tilespmem:s21+$0x120] =	vst v2  }
0x39e: {  	v2 =	vld.idx.msk [tilespmem:v0+s22+$0x220 ss:$0x1], $0xffff;
	_ =	sdelay $0x4  }
0x39f: {  	[tilespmem:s21+$0x130] =	vst v2  }
0x3a0: {  	v2 =	vld.idx.msk [tilespmem:v0+s22+$0x230 ss:$0x1], $0xffff;
	_ =	sdelay $0x4  }
0x3a1: {  	[tilespmem:s21+$0x140] =	vst v2  }
0x3a2: {  	v2 =	vld.idx.msk [tilespmem:v0+s22+$0x240 ss:$0x1], $0xffff;
	_ =	sdelay $0x4  }
0x3a3: {  	[tilespmem:s21+$0x150] =	vst v2  }
0x3a4: {  	v2 =	vld.idx.msk [tilespmem:v0+s22+$0x250 ss:$0x1], $0xffff;
	_ =	sdelay $0x4  }
0x3a5: {  	[tilespmem:s21+$0x160] =	vst v2  }
0x3a6: {  	v2 =	vld.idx.msk [tilespmem:v0+s22+$0x260 ss:$0x1], $0xffff;
	_ =	sdelay $0x4  }
0x3a7: {  	[tilespmem:s21+$0x170] =	vst v2  }
0x3a8: {  	v62 =	vld.idx.msk [tilespmem:v1+s20+$0x580 ss:$0x1], $0xffff;
	_ =	sdelay $0x4  }
0x3a9: {  	[tilespmem:s21+$0x180] =	vst v62  }
0x3aa: {  	v1 =	vld.idx.msk [tilespmem:v0+s22+$0x280 ss:$0x1], $0xffff;
	_ =	sdelay $0x4  }
0x3ab: {  	[tilespmem:s21+$0x190] =	vst v1  }
0x3ac: {  	v1 =	vld.idx.msk [tilespmem:v0+s22+$0x290 ss:$0x1], $0xffff;
	_ =	sdelay $0x4  }
0x3ad: {  	[tilespmem:s21+$0x1A0] =	vst v1  }
0x3ae: {  	v1 =	vld.idx.msk [tilespmem:v0+s22+$0x2A0 ss:$0x1], $0xffff;
	_ =	sdelay $0x4  }
0x3af: {  	[tilespmem:s21+$0x1B0] =	vst v1  }
0x3b0: {  	v1 =	vld.idx.msk [tilespmem:v0+s22+$0x2B0 ss:$0x1], $0xffff;
	_ =	sdelay $0x4  }
0x3b1: {  	[tilespmem:s21+$0x1C0] =	vst v1  }
0x3b2: {  	v1 =	vld.idx.msk [tilespmem:v0+s22+$0x2C0 ss:$0x1], $0xffff;
	_ =	sdelay $0x4  }
0x3b3: {  	[tilespmem:s21+$0x1D0] =	vst v1  }
0x3b4: {  	v1 =	vld.idx.msk [tilespmem:v0+s22+$0x2D0 ss:$0x1], $0xffff;
	_ =	sdelay $0x4  }
0x3b5: {  	[tilespmem:s21+$0x1E0] =	vst v1  }
0x3b6: {  	s18 =	sshll.u32 s18, $0xE;
	s19 =	sshll.u32 s19, $0xF;
	v63 =	vld.idx.msk [tilespmem:v0+s22+$0x2E0 ss:$0x1], $0xffff  }
0x3b7: {  	s18 =	sor.u32 s18, s19  }
.Ltmp8:
0x3b8: {  	s18 =	sadd.s32 s5, s18;
	(pc) =	sbr.rel .LBB2_13-.Ltmp8, $4  }
0x3b9: {  	s18 =	sshrl.u32 s18, $0x3  }
0x3ba: {  	s18 =	sor.u32 $0x10000, s18  }
0x3bb: {  	s18 =	sadd.s32 s3, s18;
	[tilespmem:s21+$0x1F0] =	vst v63  }
0x3bc: {  	[hbm4b:s18+s2] =	stream.linear.scatter [tilespmem:s10], [sflag:$0x2], $0x4000, $0x38;
	[tilespmem:$0x1A000] =	vst v63  }
.LBB2_14:
0x3bd: {  	_ =	swait.ge [sflag:s11], $0x4000  }
0x3be: {  	[sflag:s11] =	ssyncset.done $0x0  }
0x3bf: {  	[sflag:s11] =	ssyncadd.s32 $0xFFFFC000  }
0x3c0: {  	_ =	swait.ge [sflag:s11], $0x4000  }
0x3c1: {  	[sflag:s11] =	ssyncset.done $0x0  }
0x3c2: {  	[sflag:s11] =	ssyncadd.s32 $0xFFFFC000  }
0x3c3: {  	_ =	swait.ge [sflag:s9], $0x400  }
0x3c4: {  	[sflag:s9] =	ssyncset.done $0x0  }
0x3c5: {  	[sflag:s9] =	ssyncadd.s32 $0xFFFFFC00  }
0x3c6: {  	_ =	swait.ge [sflag:s9], $0x400  }
0x3c7: {  	[sflag:s9] =	ssyncset.done $0x0  }
0x3c8: {  	[sflag:s9] =	ssyncadd.s32 $0xFFFFFC00  }
0x3c9: {  	_ =	swait.ge [sflag:s9], $0x400  }
0x3ca: {  	[sflag:s9] =	ssyncset.done $0x0  }
0x3cb: {  	[sflag:s9] =	ssyncadd.s32 $0xFFFFFC00  }
0x3cc: {  	_ =	swait.ge [sflag:s9], $0x400  }
0x3cd: {  	s14 =	simm.s32 $0x0;
	[sflag:s9] =	ssyncset.done $0x0  }
.LBB2_15:
0x3ce: {  	s14 =	sadd.s32 $0x4, s14;
	[sflag:s9] =	ssyncadd.s32 $0xFFFFFC00  }
0x3cf: {  	_ =	swait.ge [sflag:s9], $0x400;
	p0 =	slt.u32 s14, $0x1FC  }
0x3d0: {  	[sflag:s9] =	ssyncset.done $0x0  }
0x3d1: {  	[sflag:s9] =	ssyncadd.s32 $0xFFFFFC00  }
0x3d2: {  	_ =	swait.ge [sflag:s9], $0x400  }
0x3d3: {  	[sflag:s9] =	ssyncset.done $0x0  }
0x3d4: {  	[sflag:s9] =	ssyncadd.s32 $0xFFFFFC00  }
.Ltmp9:
0x3d5: {  	_ =	swait.ge [sflag:s9], $0x400;
	(pc) =	sbr.rel @p0 .LBB2_15-.Ltmp9, $4  }
0x3d6: {  	[sflag:s9] =	ssyncset.done $0x0  }
0x3d7: {  	[sflag:s9] =	ssyncadd.s32 $0xFFFFFC00  }
0x3d8: {  	_ =	swait.ge [sflag:s9], $0x400  }
0x3d9: {  	[sflag:s9] =	ssyncset.done $0x0  }
0x3da: {  	s13 =	sadd.s32 $0x1, s13  }
0x3db: {  	p0 =	sne.s32 s13, s7  }
.Ltmp10:
0x3dc: {  	_ = 	snop;
	(pc) =	sbr.rel @p0 .LBB2_1-.Ltmp10, $2  }
0x3dd: {  	_ =	sdelay $0x2  }
0x3de: {  	[sflag:s9] =	ssyncadd.s32 $0xFFFFFC00  }
0x3df: {  	_ =	sfence.sel $0x180000  }
0x3e0: {  	[bflag:$0x0] =	sbarrier.arrive $0xFFFF  }
0x3e1: {  	p0 =	sne.s32 s1, $0x0;
	_ =	strace $0x90000047  }
0x3e2: {  	s0 =	sadd.s32 @!p0 $0x100000, s0;
	[bflag:$0x2] =	sbarrier.arrive $0xFFFF  }
0x3e3: {  	[sflag:s0] =	ssyncadd.tile.s32 @!p0 $0x1;
	_ =	shalt  }
.Lfunc_end2:
_tile_overlayer_lowered:
.L_overlay_start_2:
0x3e4: {  	(tag) =	ssettag $0x2  }
0x3e5: {  	s0 =	rddreg [dreg:$0x0];
	s2 =	stileid.u32  }
0x3e6: {  	s1 =	rddreg [dreg:$0x1];
	p0 =	sne.s32 s2, $0x0  }
0x3e7: {  	s3 =	rddreg [dreg:$0x2];
	[bflag:$0x3] =	sbarrier.arrive $0xFFFF;
	s2 =	simm.s32 @!p0 $0x1C03  }
0x3e8: {  	[timem:s3], [sflag:s2] =	dma.local @!p0 [hbm:s0], s1  }
0x3e9: {  	s0 =	simm.s32 @!p0 $0x3  }
0x3ea: {  	_ =	swait.ge @!p0 [sflag:s0], s1  }
0x3eb: {  	s1 =	ssub.s32 @!p0 $0x0, s1;
	[sflag:s0] =	ssyncset.done @!p0 $0x0  }
0x3ec: {  	[sflag:s0] =	ssyncadd.s32 @!p0 s1  }
0x3ed: {  	[bflag:$0x3] =	sbarrier.arrive $0xFFFF  }
0x3ee: {  	_ =	shalt  }

</sc_bundles>
